<compile_context>
chip_gen: v7x
topology: tpu7x:2x2x1
jax: 0.10.2.dev20260603
libtpu: 0.0.44.dev20260713+nightly
codegen_flags: <defaults>
</compile_context>

<pallas_src>
import functools
import math

import jax
import jax.numpy as jnp
from jax import lax
from jax.experimental import pallas as pl
from jax.experimental.pallas import tpu as pltpu
from jax.experimental.pallas import tpu_sc as plsc

TOPK = 8
NEG = -1.0e30
BIGI = 2**31 - 1


def _score_topk_body(n_slots, x_ref, wq_ref, keys_ref, vals_out, ids_out,
                     q_ref, lv_ref, li_ref):
    i = pl.program_id(0)
    nsteps = pl.num_programs(0)
    blk = keys_ref.shape[0]
    b = x_ref.shape[0]

    @pl.when(i == 0)
    def _init():
        q_ref[...] = lax.dot_general(
            x_ref[...], wq_ref[...], (((1,), (1,)), ((), ())),
            preferred_element_type=jnp.float32)
        lv_ref[...] = jnp.full_like(lv_ref, NEG)
        li_ref[...] = jnp.zeros_like(li_ref)

    scores = lax.dot_general(
        q_ref[...], keys_ref[...], (((1,), (1,)), ((), ())),
        preferred_element_type=jnp.float32) * (1.0 / math.sqrt(q_ref.shape[1]))

    lane = lax.broadcasted_iota(jnp.int32, (b, 128), 1)
    tv = [lv_ref[:, l * 128:(l + 1) * 128] for l in range(TOPK)]
    ti = [li_ref[:, l * 128:(l + 1) * 128] for l in range(TOPK)]
    for g in range(blk // 128):
        v = scores[:, g * 128:(g + 1) * 128]
        vid = lane + (i * blk + g * 128)
        v = jnp.where(vid < n_slots, v, NEG)
        for l in range(TOPK):
            gt = v > tv[l]
            nv = jnp.maximum(v, tv[l])
            dv = jnp.minimum(v, tv[l])
            ni_ = jnp.where(gt, vid, ti[l])
            di = jnp.where(gt, ti[l], vid)
            tv[l], ti[l] = nv, ni_
            v, vid = dv, di
    for l in range(TOPK):
        lv_ref[:, l * 128:(l + 1) * 128] = tv[l]
        li_ref[:, l * 128:(l + 1) * 128] = ti[l]

    @pl.when(i == nsteps - 1)
    def _emit():
        cv = lv_ref[...]
        ci = li_ref[...]
        vs, ids_ = [], []
        for _ in range(TOPK):
            m = jnp.max(cv, axis=1, keepdims=True)
            hit = cv == m
            cand = jnp.where(hit, ci, BIGI)
            a = jnp.min(cand, axis=1, keepdims=True)
            vs.append(m)
            ids_.append(a)
            cv = jnp.where(hit & (ci == a), NEG, cv)
        vals_out[...] = jnp.concatenate(
            vs + [jnp.full((b, TOPK), NEG, jnp.float32)], axis=1)
        ids_out[...] = jnp.concatenate(
            ids_ + [jnp.zeros((b, TOPK), jnp.int32)], axis=1)


def _score_topk(xq, wq, slot_keys, blk=2944):
    b, d = xq.shape
    n = slot_keys.shape[0]
    grid = (n + blk - 1) // blk
    return pl.pallas_call(
        functools.partial(_score_topk_body, n),
        grid=(grid,),
        in_specs=[
            pl.BlockSpec((b, d), lambda i: (0, 0)),
            pl.BlockSpec((d, d), lambda i: (0, 0)),
            pl.BlockSpec((blk, d), lambda i: (i, 0)),
        ],
        out_specs=[
            pl.BlockSpec((b, 2 * TOPK), lambda i: (0, 0)),
            pl.BlockSpec((b, 2 * TOPK), lambda i: (0, 0)),
        ],
        out_shape=[
            jax.ShapeDtypeStruct((b, 2 * TOPK), jnp.float32),
            jax.ShapeDtypeStruct((b, 2 * TOPK), jnp.int32),
        ],
        scratch_shapes=[
            pltpu.VMEM((b, d), jnp.float32),
            pltpu.VMEM((b, TOPK * 128), jnp.float32),
            pltpu.VMEM((b, TOPK * 128), jnp.int32),
        ],
        compiler_params=pltpu.CompilerParams(
            vmem_limit_bytes=64 * 1024 * 1024),
    )(xq, wq, slot_keys)


def _sc_retrieve_body(d, vals_hbm, ids_hbm, values_hbm, out_hbm,
                      vals_v, ids_v, rows_v, acc_v, shf_v, sem):
    c = lax.axis_index("c")
    s = lax.axis_index("s")
    wid = s * 2 + c

    pltpu.sync_copy(vals_hbm.at[wid], vals_v)
    pltpu.sync_copy(ids_hbm.at[wid, pl.ds(0, TOPK)], ids_v)
    pltpu.async_copy(values_hbm.at[ids_v], rows_v, sem).wait()

    lane = lax.iota(jnp.int32, 16)
    v = vals_v[...]
    m = v
    for sft in (1, 2, 4, 8):
        shf_v[...] = m
        m = jnp.maximum(m, plsc.load_gather(shf_v, [jnp.bitwise_xor(lane, sft)]))
    e = jnp.exp(v - m)
    ssum = e
    for sft in (1, 2, 4, 8):
        shf_v[...] = ssum
        ssum = ssum + plsc.load_gather(shf_v, [jnp.bitwise_xor(lane, sft)])
    w = e / ssum

    def body(j, _):
        acc = jnp.zeros((16,), jnp.float32)
        for k in range(TOPK):
            acc = acc + w[k] * rows_v[k, pl.ds(j * 16, 16)]
        acc_v[pl.ds(j * 16, 16)] = acc
        return 0

    lax.fori_loop(0, d // 16, body, 0)
    pltpu.sync_copy(acc_v, out_hbm.at[wid])


def _sc_retrieve(topk_vals, topk_ids, slot_values):
    b = topk_vals.shape[0]
    d = slot_values.shape[1]
    mesh = plsc.VectorSubcoreMesh(core_axis_name="c", subcore_axis_name="s")
    return pl.kernel(
        functools.partial(_sc_retrieve_body, d),
        out_type=jax.ShapeDtypeStruct((b, d), jnp.float32),
        mesh=mesh,
        compiler_params=pltpu.CompilerParams(needs_layout_passes=False),
        scratch_types=[
            pltpu.VMEM((2 * TOPK,), jnp.float32),
            pltpu.VMEM((TOPK,), jnp.int32),
            pltpu.VMEM((TOPK, d), jnp.float32),
            pltpu.VMEM((d,), jnp.float32),
            pltpu.VMEM((16,), jnp.float32),
            pltpu.SemaphoreType.DMA,
        ],
    )(topk_vals, topk_ids, slot_values)


def _proj_body(r_ref, w_ref, o_ref):
    o_ref[...] = lax.dot_general(
        r_ref[...], w_ref[...], (((1,), (1,)), ((), ())),
        preferred_element_type=jnp.float32)


def _out_proj(retrieved, wout):
    b, d = retrieved.shape
    return pl.pallas_call(
        _proj_body,
        out_shape=jax.ShapeDtypeStruct((b, d), jnp.float32),
    )(retrieved, wout)


def kernel(x, slot_keys, slot_values, Wq, Wout):
    b, t, d = x.shape
    xq = x.reshape(b * t, d)
    topk_vals, topk_ids = _score_topk(xq, Wq, slot_keys)
    retrieved = _sc_retrieve(topk_vals, topk_ids, slot_values)
    out = _out_proj(retrieved, Wout)
    return out.reshape(b, t, d)

# --- scband reference (transcript-rebuilt; emitter-appended) ---
"""Pipeline reference for scband-slot-memory-13761075216775 (READ-ONLY COPY).

The authoritative reference and input builder live on the scoring server;
editing this copy changes nothing except your own understanding.
"""

import math
import jax, jax.numpy as jnp
import numpy as np

D_MODEL = 1024
N_SLOTS = 100000
TOP_K = 8
B, T = 32, 1


def setup_inputs(seed: int = 0) -> dict:
    key = jax.random.key(seed)
    k_x, k_sk, k_sv, k_wq, k_wo = jax.random.split(key, 5)
    x = jax.random.normal(k_x, (B, T, D_MODEL), dtype=jnp.float32)
    slot_keys = jax.random.normal(k_sk, (N_SLOTS, D_MODEL), dtype=jnp.float32) * 0.02
    slot_values = jax.random.normal(k_sv, (N_SLOTS, D_MODEL), dtype=jnp.float32) * 0.02
    # nn.Linear(d, d, bias=False): weight [out, in], y = x @ W.T
    lim = 1.0 / math.sqrt(D_MODEL)
    Wq = jax.random.uniform(k_wq, (D_MODEL, D_MODEL), dtype=jnp.float32, minval=-lim, maxval=lim)
    Wout = jax.random.uniform(k_wo, (D_MODEL, D_MODEL), dtype=jnp.float32, minval=-lim, maxval=lim)
    return {"x": x, "slot_keys": slot_keys, "slot_values": slot_values, "Wq": Wq, "Wout": Wout}


def reference(x, slot_keys, slot_values, Wq, Wout):
    Bb, Tt, D = x.shape
    q = jnp.einsum('btd,ed->bte', x, Wq)
    scores = jnp.einsum('btd,nd->btn', q, slot_keys) / math.sqrt(D)
    topk_vals, topk_ids = jax.lax.top_k(scores, TOP_K)  # [B,T,K]
    attn = jax.nn.softmax(topk_vals, axis=-1)
    ids_flat = topk_ids.reshape(-1, TOP_K)  # [B*T, K]
    gathered = jnp.take(slot_values, ids_flat, axis=0)  # [B*T, K, D]
    gathered = gathered.reshape(Bb, Tt, TOP_K, D)
    retrieved = jnp.sum(attn[..., None] * gathered, axis=2)  # [B,T,D]
    out = jnp.einsum('btd,ed->bte', retrieved, Wout)
    return out

if __name__ == "__main__":
    import jax
    _d = setup_inputs()
    print(jax.jit(kernel)(*tuple(_d.values())))

</pallas_src>

<mosaic_0001>
#map = affine_map<(d0, d1) -> (0, 0)>
module attributes {stable_mosaic.version = 14 : i64} {
  func.func @_sc_retrieve_body(%arg0: i32, %arg1: i32, %arg2: memref<32x16xf32, #tpu.memory_space<hbm>>, %arg3: memref<32x16xi32, #tpu.memory_space<hbm>>, %arg4: memref<100000x1024xf32, #tpu.memory_space<hbm>>, %arg5: memref<32x1024xf32, #tpu.memory_space<hbm>>, %arg6: memref<16xf32, #tpu.memory_space<vmem>>, %arg7: memref<8xi32, #tpu.memory_space<vmem>>, %arg8: memref<8x1024xf32, #tpu.memory_space<vmem>>, %arg9: memref<1024xf32, #tpu.memory_space<vmem>>, %arg10: memref<16xf32, #tpu.memory_space<vmem>>, %arg11: memref<!tpu.dma_semaphore, #tpu.memory_space<semaphore_mem>>) attributes {dimension_semantics = [#tpu.dimension_semantics<core_parallel>, #tpu.dimension_semantics<subcore_parallel>], iteration_bounds = array<i64: 2, 16>, scalar_prefetch = 0 : i64, scratch_operands = 6 : i64, tpu.core_type = #tpu.core_type<sc_vector_subcore>, window_params = [{transform_indices = #map}, {transform_indices = #map}, {transform_indices = #map}, {transform_indices = #map}]} {
    %mul3A = arith.constant 2 : i32
    %mul3A_0 = arith.muli %arg1, %mul3A : i32
    %add3A = arith.addi %mul3A_0, %arg0 : i32
    "tpu.region"() ({
      %run_scoped3A = tpu.sem_alloc : memref<!tpu.dma_semaphore, #tpu.memory_space<semaphore_mem>>
      %dma_start3A_64 = arith.constant 0 : i32
      %dma_start3A_65 = tpu.memref_slice %arg2[%add3A, %dma_start3A_64] : memref<32x16xf32, #tpu.memory_space<hbm>> -> memref<1x16xf32, #tpu.memory_space<hbm>>
      %dma_start3A_66 = tpu.memref_squeeze %dma_start3A_65 : memref<1x16xf32, #tpu.memory_space<hbm>> -> memref<16xf32, #tpu.memory_space<hbm>>
      %dma_start3A_67 = arith.constant 0 : i32
      %dma_start3A_68 = tpu.memref_slice %arg2[%add3A, %dma_start3A_67] : memref<32x16xf32, #tpu.memory_space<hbm>> -> memref<1x16xf32, #tpu.memory_space<hbm>>
      %dma_start3A_69 = tpu.memref_squeeze %dma_start3A_68 : memref<1x16xf32, #tpu.memory_space<hbm>> -> memref<16xf32, #tpu.memory_space<hbm>>
      tpu.enqueue_dma source(%dma_start3A_69 : memref<16xf32, #tpu.memory_space<hbm>>) target(%arg6 : memref<16xf32, #tpu.memory_space<vmem>>) target_semaphore(%run_scoped3A : memref<!tpu.dma_semaphore, #tpu.memory_space<semaphore_mem>>)
      %dma_wait3A_70 = arith.constant 0 : i32
      %dma_wait3A_71 = tpu.memref_slice %arg2[%add3A, %dma_wait3A_70] : memref<32x16xf32, #tpu.memory_space<hbm>> -> memref<1x16xf32, #tpu.memory_space<hbm>>
      %dma_wait3A_72 = tpu.memref_squeeze %dma_wait3A_71 : memref<1x16xf32, #tpu.memory_space<hbm>> -> memref<16xf32, #tpu.memory_space<hbm>>
      %dma_wait3A_73 = arith.constant 0 : i32
      %dma_wait3A_74 = tpu.memref_slice %arg2[%add3A, %dma_wait3A_73] : memref<32x16xf32, #tpu.memory_space<hbm>> -> memref<1x16xf32, #tpu.memory_space<hbm>>
      %dma_wait3A_75 = tpu.memref_squeeze %dma_wait3A_74 : memref<1x16xf32, #tpu.memory_space<hbm>> -> memref<16xf32, #tpu.memory_space<hbm>>
      tpu.wait_dma2 semaphore(%run_scoped3A : memref<!tpu.dma_semaphore, #tpu.memory_space<semaphore_mem>>) src(%dma_wait3A_75 : memref<16xf32, #tpu.memory_space<hbm>>) dst(%arg6 : memref<16xf32, #tpu.memory_space<vmem>>)
      tpu.yield
    }) : () -> ()
    "tpu.region"() ({
      %run_scoped3A = tpu.sem_alloc : memref<!tpu.dma_semaphore, #tpu.memory_space<semaphore_mem>>
      %dma_start3A_64 = arith.constant 0 : i32
      %dma_start3A_65 = tpu.memref_slice %arg3[%add3A, %dma_start3A_64] : memref<32x16xi32, #tpu.memory_space<hbm>> -> memref<1x8xi32, #tpu.memory_space<hbm>>
      %dma_start3A_66 = tpu.memref_squeeze %dma_start3A_65 : memref<1x8xi32, #tpu.memory_space<hbm>> -> memref<8xi32, #tpu.memory_space<hbm>>
      %dma_start3A_67 = arith.constant 0 : i32
      %dma_start3A_68 = tpu.memref_slice %arg3[%add3A, %dma_start3A_67] : memref<32x16xi32, #tpu.memory_space<hbm>> -> memref<1x8xi32, #tpu.memory_space<hbm>>
      %dma_start3A_69 = tpu.memref_squeeze %dma_start3A_68 : memref<1x8xi32, #tpu.memory_space<hbm>> -> memref<8xi32, #tpu.memory_space<hbm>>
      tpu.enqueue_dma source(%dma_start3A_69 : memref<8xi32, #tpu.memory_space<hbm>>) target(%arg7 : memref<8xi32, #tpu.memory_space<vmem>>) target_semaphore(%run_scoped3A : memref<!tpu.dma_semaphore, #tpu.memory_space<semaphore_mem>>)
      %dma_wait3A_70 = arith.constant 0 : i32
      %dma_wait3A_71 = tpu.memref_slice %arg3[%add3A, %dma_wait3A_70] : memref<32x16xi32, #tpu.memory_space<hbm>> -> memref<1x8xi32, #tpu.memory_space<hbm>>
      %dma_wait3A_72 = tpu.memref_squeeze %dma_wait3A_71 : memref<1x8xi32, #tpu.memory_space<hbm>> -> memref<8xi32, #tpu.memory_space<hbm>>
      %dma_wait3A_73 = arith.constant 0 : i32
      %dma_wait3A_74 = tpu.memref_slice %arg3[%add3A, %dma_wait3A_73] : memref<32x16xi32, #tpu.memory_space<hbm>> -> memref<1x8xi32, #tpu.memory_space<hbm>>
      %dma_wait3A_75 = tpu.memref_squeeze %dma_wait3A_74 : memref<1x8xi32, #tpu.memory_space<hbm>> -> memref<8xi32, #tpu.memory_space<hbm>>
      tpu.wait_dma2 semaphore(%run_scoped3A : memref<!tpu.dma_semaphore, #tpu.memory_space<semaphore_mem>>) src(%dma_wait3A_75 : memref<8xi32, #tpu.memory_space<hbm>>) dst(%arg7 : memref<8xi32, #tpu.memory_space<vmem>>)
      tpu.yield
    }) : () -> ()
    %dma_start3A = arith.constant 0 : i32
    %dma_start3A_1 = arith.constant 0 : i32
    %dma_start3A_2 = tpu.memref_slice %arg4[%dma_start3A, %dma_start3A_1] : memref<100000x1024xf32, #tpu.memory_space<hbm>> -> memref<100000x1024xf32, #tpu.memory_space<hbm>>
    tpu.enqueue_indirect_dma source(%dma_start3A_2 : memref<100000x1024xf32, #tpu.memory_space<hbm>>) target(%arg8 : memref<8x1024xf32, #tpu.memory_space<vmem>>) offsets(%arg7 : memref<8xi32, #tpu.memory_space<vmem>>) semaphore(%arg11 : memref<!tpu.dma_semaphore, #tpu.memory_space<semaphore_mem>>)
    %dma_wait3A = arith.constant 0 : i32
    %dma_wait3A_3 = arith.constant 0 : i32
    %dma_wait3A_4 = tpu.memref_slice %arg4[%dma_wait3A, %dma_wait3A_3] : memref<100000x1024xf32, #tpu.memory_space<hbm>> -> memref<100000x1024xf32, #tpu.memory_space<hbm>>
    tpu.wait_indirect_dma semaphore(%arg11 : memref<!tpu.dma_semaphore, #tpu.memory_space<semaphore_mem>>) src(%dma_wait3A_4 : memref<100000x1024xf32, #tpu.memory_space<hbm>>) dst(%arg8 : memref<8x1024xf32, #tpu.memory_space<vmem>>)
    %iota3A = tpu.iota {dimensions = array<i32: 0>} : vector<16xi32>
    %get3A = arith.constant 0 : index
    %get3A_5 = tpu.vector_load %arg6[%get3A] {strides = array<i32>} : memref<16xf32, #tpu.memory_space<vmem>>, vector<16xf32>,
    %swap3A = arith.constant 0 : index
    %swap3A_6 = tpu.vector_load %arg10[%swap3A] {strides = array<i32>} : memref<16xf32, #tpu.memory_space<vmem>>, vector<16xf32>,
    tpu.vector_store %arg10[%swap3A], %get3A_5 {strides = array<i32>} : memref<16xf32, #tpu.memory_space<vmem>>, vector<16xf32>,
    %xor3A = arith.constant 1 : i32
    %xor3A_7 = vector.broadcast %xor3A : i32 to vector<16xi32>
    %xor3A_8 = arith.xori %iota3A, %xor3A_7 : vector<16xi32>
    %gather3A = tpu.vector_load_idx %arg10[%xor3A_8] : memref<16xf32, #tpu.memory_space<vmem>>[vector<16xi32>], vector<16xf32>,
    %max3A = arith.maximumf %get3A_5, %gather3A : vector<16xf32>
    %swap3A_9 = arith.constant 0 : index
    %swap3A_10 = tpu.vector_load %arg10[%swap3A_9] {strides = array<i32>} : memref<16xf32, #tpu.memory_space<vmem>>, vector<16xf32>,
    tpu.vector_store %arg10[%swap3A_9], %max3A {strides = array<i32>} : memref<16xf32, #tpu.memory_space<vmem>>, vector<16xf32>,
    %xor3A_11 = arith.constant 2 : i32
    %xor3A_12 = vector.broadcast %xor3A_11 : i32 to vector<16xi32>
    %xor3A_13 = arith.xori %iota3A, %xor3A_12 : vector<16xi32>
    %gather3A_14 = tpu.vector_load_idx %arg10[%xor3A_13] : memref<16xf32, #tpu.memory_space<vmem>>[vector<16xi32>], vector<16xf32>,
    %max3A_15 = arith.maximumf %max3A, %gather3A_14 : vector<16xf32>
    %swap3A_16 = arith.constant 0 : index
    %swap3A_17 = tpu.vector_load %arg10[%swap3A_16] {strides = array<i32>} : memref<16xf32, #tpu.memory_space<vmem>>, vector<16xf32>,
    tpu.vector_store %arg10[%swap3A_16], %max3A_15 {strides = array<i32>} : memref<16xf32, #tpu.memory_space<vmem>>, vector<16xf32>,
    %xor3A_18 = arith.constant 4 : i32
    %xor3A_19 = vector.broadcast %xor3A_18 : i32 to vector<16xi32>
    %xor3A_20 = arith.xori %iota3A, %xor3A_19 : vector<16xi32>
    %gather3A_21 = tpu.vector_load_idx %arg10[%xor3A_20] : memref<16xf32, #tpu.memory_space<vmem>>[vector<16xi32>], vector<16xf32>,
    %max3A_22 = arith.maximumf %max3A_15, %gather3A_21 : vector<16xf32>
    %swap3A_23 = arith.constant 0 : index
    %swap3A_24 = tpu.vector_load %arg10[%swap3A_23] {strides = array<i32>} : memref<16xf32, #tpu.memory_space<vmem>>, vector<16xf32>,
    tpu.vector_store %arg10[%swap3A_23], %max3A_22 {strides = array<i32>} : memref<16xf32, #tpu.memory_space<vmem>>, vector<16xf32>,
    %xor3A_25 = arith.constant 8 : i32
    %xor3A_26 = vector.broadcast %xor3A_25 : i32 to vector<16xi32>
    %xor3A_27 = arith.xori %iota3A, %xor3A_26 : vector<16xi32>
    %gather3A_28 = tpu.vector_load_idx %arg10[%xor3A_27] : memref<16xf32, #tpu.memory_space<vmem>>[vector<16xi32>], vector<16xf32>,
    %max3A_29 = arith.maximumf %max3A_22, %gather3A_28 : vector<16xf32>
    %sub3A = arith.subf %get3A_5, %max3A_29 : vector<16xf32>
    %exp3A = math.exp %sub3A : vector<16xf32>
    %swap3A_30 = arith.constant 0 : index
    %swap3A_31 = tpu.vector_load %arg10[%swap3A_30] {strides = array<i32>} : memref<16xf32, #tpu.memory_space<vmem>>, vector<16xf32>,
    tpu.vector_store %arg10[%swap3A_30], %exp3A {strides = array<i32>} : memref<16xf32, #tpu.memory_space<vmem>>, vector<16xf32>,
    %xor3A_32 = arith.constant 1 : i32
    %xor3A_33 = vector.broadcast %xor3A_32 : i32 to vector<16xi32>
    %xor3A_34 = arith.xori %iota3A, %xor3A_33 : vector<16xi32>
    %gather3A_35 = tpu.vector_load_idx %arg10[%xor3A_34] : memref<16xf32, #tpu.memory_space<vmem>>[vector<16xi32>], vector<16xf32>,
    %add3A_36 = arith.addf %exp3A, %gather3A_35 : vector<16xf32>
    %swap3A_37 = arith.constant 0 : index
    %swap3A_38 = tpu.vector_load %arg10[%swap3A_37] {strides = array<i32>} : memref<16xf32, #tpu.memory_space<vmem>>, vector<16xf32>,
    tpu.vector_store %arg10[%swap3A_37], %add3A_36 {strides = array<i32>} : memref<16xf32, #tpu.memory_space<vmem>>, vector<16xf32>,
    %xor3A_39 = arith.constant 2 : i32
    %xor3A_40 = vector.broadcast %xor3A_39 : i32 to vector<16xi32>
    %xor3A_41 = arith.xori %iota3A, %xor3A_40 : vector<16xi32>
    %gather3A_42 = tpu.vector_load_idx %arg10[%xor3A_41] : memref<16xf32, #tpu.memory_space<vmem>>[vector<16xi32>], vector<16xf32>,
    %add3A_43 = arith.addf %add3A_36, %gather3A_42 : vector<16xf32>
    %swap3A_44 = arith.constant 0 : index
    %swap3A_45 = tpu.vector_load %arg10[%swap3A_44] {strides = array<i32>} : memref<16xf32, #tpu.memory_space<vmem>>, vector<16xf32>,
    tpu.vector_store %arg10[%swap3A_44], %add3A_43 {strides = array<i32>} : memref<16xf32, #tpu.memory_space<vmem>>, vector<16xf32>,
    %xor3A_46 = arith.constant 4 : i32
    %xor3A_47 = vector.broadcast %xor3A_46 : i32 to vector<16xi32>
    %xor3A_48 = arith.xori %iota3A, %xor3A_47 : vector<16xi32>
    %gather3A_49 = tpu.vector_load_idx %arg10[%xor3A_48] : memref<16xf32, #tpu.memory_space<vmem>>[vector<16xi32>], vector<16xf32>,
    %add3A_50 = arith.addf %add3A_43, %gather3A_49 : vector<16xf32>
    %swap3A_51 = arith.constant 0 : index
    %swap3A_52 = tpu.vector_load %arg10[%swap3A_51] {strides = array<i32>} : memref<16xf32, #tpu.memory_space<vmem>>, vector<16xf32>,
    tpu.vector_store %arg10[%swap3A_51], %add3A_50 {strides = array<i32>} : memref<16xf32, #tpu.memory_space<vmem>>, vector<16xf32>,
    %xor3A_53 = arith.constant 8 : i32
    %xor3A_54 = vector.broadcast %xor3A_53 : i32 to vector<16xi32>
    %xor3A_55 = arith.xori %iota3A, %xor3A_54 : vector<16xi32>
    %gather3A_56 = tpu.vector_load_idx %arg10[%xor3A_55] : memref<16xf32, #tpu.memory_space<vmem>>[vector<16xi32>], vector<16xf32>,
    %add3A_57 = arith.addf %add3A_50, %gather3A_56 : vector<16xf32>
    %div3A = arith.divf %exp3A, %add3A_57 : vector<16xf32>
    %scan3A = arith.constant 0 : i32
    %scan3A_58 = arith.constant 0 : i32
    %scan3A_59 = arith.constant 64 : i32
    %scan3A_60 = arith.addi %scan3A_58, %scan3A_59 : i32
    %scan3A_61 = arith.constant 1 : i32
    %scan3A_62 = scf.for %scan3A_64 = %scan3A_58 to %scan3A_60 step %scan3A_61 iter_args(%scan3A_65 = %scan3A) -> (i32)  : i32 {
      %broadcast_in_dim3A = arith.constant 0.000000e+00 : f32
      %broadcast_in_dim3A_66 = vector.broadcast %broadcast_in_dim3A : f32 to vector<16xf32>
      %slice3A = vector.extract_strided_slice %div3A {offsets = [0], sizes = [1], strides = [1]} : vector<16xf32> to vector<1xf32>
      %squeeze3A = vector.extract %slice3A[0] : f32 from vector<1xf32>
      %mul3A_67 = arith.constant 16 : i32
      %mul3A_68 = arith.muli %scan3A_64, %mul3A_67 : i32
      %get3A_69 = arith.constant 0 : i32
      %get3A_70 = arith.index_cast %get3A_69 : i32 to index
      %get3A_71 = arith.index_cast %mul3A_68 : i32 to index
      %get3A_72 = tpu.vector_load %arg8[%get3A_70, %get3A_71] {strides = array<i32>} : memref<8x1024xf32, #tpu.memory_space<vmem>>, vector<16xf32>,
      %mul3A_73 = vector.broadcast %squeeze3A : f32 to vector<16xf32>
      %mul3A_74 = arith.mulf %mul3A_73, %get3A_72 : vector<16xf32>
      %add3A_75 = arith.addf %broadcast_in_dim3A_66, %mul3A_74 : vector<16xf32>
      %slice3A_76 = vector.extract_strided_slice %div3A {offsets = [1], sizes = [1], strides = [1]} : vector<16xf32> to vector<1xf32>
      %squeeze3A_77 = vector.extract %slice3A_76[0] : f32 from vector<1xf32>
      %mul3A_78 = arith.constant 16 : i32
      %mul3A_79 = arith.muli %scan3A_64, %mul3A_78 : i32
      %get3A_80 = arith.constant 1 : i32
      %get3A_81 = arith.index_cast %get3A_80 : i32 to index
      %get3A_82 = arith.index_cast %mul3A_79 : i32 to index
      %get3A_83 = tpu.vector_load %arg8[%get3A_81, %get3A_82] {strides = array<i32>} : memref<8x1024xf32, #tpu.memory_space<vmem>>, vector<16xf32>,
      %mul3A_84 = vector.broadcast %squeeze3A_77 : f32 to vector<16xf32>
      %mul3A_85 = arith.mulf %mul3A_84, %get3A_83 : vector<16xf32>
      %add3A_86 = arith.addf %add3A_75, %mul3A_85 : vector<16xf32>
      %slice3A_87 = vector.extract_strided_slice %div3A {offsets = [2], sizes = [1], strides = [1]} : vector<16xf32> to vector<1xf32>
      %squeeze3A_88 = vector.extract %slice3A_87[0] : f32 from vector<1xf32>
      %mul3A_89 = arith.constant 16 : i32
      %mul3A_90 = arith.muli %scan3A_64, %mul3A_89 : i32
      %get3A_91 = arith.constant 2 : i32
      %get3A_92 = arith.index_cast %get3A_91 : i32 to index
      %get3A_93 = arith.index_cast %mul3A_90 : i32 to index
      %get3A_94 = tpu.vector_load %arg8[%get3A_92, %get3A_93] {strides = array<i32>} : memref<8x1024xf32, #tpu.memory_space<vmem>>, vector<16xf32>,
      %mul3A_95 = vector.broadcast %squeeze3A_88 : f32 to vector<16xf32>
      %mul3A_96 = arith.mulf %mul3A_95, %get3A_94 : vector<16xf32>
      %add3A_97 = arith.addf %add3A_86, %mul3A_96 : vector<16xf32>
      %slice3A_98 = vector.extract_strided_slice %div3A {offsets = [3], sizes = [1], strides = [1]} : vector<16xf32> to vector<1xf32>
      %squeeze3A_99 = vector.extract %slice3A_98[0] : f32 from vector<1xf32>
      %mul3A_100 = arith.constant 16 : i32
      %mul3A_101 = arith.muli %scan3A_64, %mul3A_100 : i32
      %get3A_102 = arith.constant 3 : i32
      %get3A_103 = arith.index_cast %get3A_102 : i32 to index
      %get3A_104 = arith.index_cast %mul3A_101 : i32 to index
      %get3A_105 = tpu.vector_load %arg8[%get3A_103, %get3A_104] {strides = array<i32>} : memref<8x1024xf32, #tpu.memory_space<vmem>>, vector<16xf32>,
      %mul3A_106 = vector.broadcast %squeeze3A_99 : f32 to vector<16xf32>
      %mul3A_107 = arith.mulf %mul3A_106, %get3A_105 : vector<16xf32>
      %add3A_108 = arith.addf %add3A_97, %mul3A_107 : vector<16xf32>
      %slice3A_109 = vector.extract_strided_slice %div3A {offsets = [4], sizes = [1], strides = [1]} : vector<16xf32> to vector<1xf32>
      %squeeze3A_110 = vector.extract %slice3A_109[0] : f32 from vector<1xf32>
      %mul3A_111 = arith.constant 16 : i32
      %mul3A_112 = arith.muli %scan3A_64, %mul3A_111 : i32
      %get3A_113 = arith.constant 4 : i32
      %get3A_114 = arith.index_cast %get3A_113 : i32 to index
      %get3A_115 = arith.index_cast %mul3A_112 : i32 to index
      %get3A_116 = tpu.vector_load %arg8[%get3A_114, %get3A_115] {strides = array<i32>} : memref<8x1024xf32, #tpu.memory_space<vmem>>, vector<16xf32>,
      %mul3A_117 = vector.broadcast %squeeze3A_110 : f32 to vector<16xf32>
      %mul3A_118 = arith.mulf %mul3A_117, %get3A_116 : vector<16xf32>
      %add3A_119 = arith.addf %add3A_108, %mul3A_118 : vector<16xf32>
      %slice3A_120 = vector.extract_strided_slice %div3A {offsets = [5], sizes = [1], strides = [1]} : vector<16xf32> to vector<1xf32>
      %squeeze3A_121 = vector.extract %slice3A_120[0] : f32 from vector<1xf32>
      %mul3A_122 = arith.constant 16 : i32
      %mul3A_123 = arith.muli %scan3A_64, %mul3A_122 : i32
      %get3A_124 = arith.constant 5 : i32
      %get3A_125 = arith.index_cast %get3A_124 : i32 to index
      %get3A_126 = arith.index_cast %mul3A_123 : i32 to index
      %get3A_127 = tpu.vector_load %arg8[%get3A_125, %get3A_126] {strides = array<i32>} : memref<8x1024xf32, #tpu.memory_space<vmem>>, vector<16xf32>,
      %mul3A_128 = vector.broadcast %squeeze3A_121 : f32 to vector<16xf32>
      %mul3A_129 = arith.mulf %mul3A_128, %get3A_127 : vector<16xf32>
      %add3A_130 = arith.addf %add3A_119, %mul3A_129 : vector<16xf32>
      %slice3A_131 = vector.extract_strided_slice %div3A {offsets = [6], sizes = [1], strides = [1]} : vector<16xf32> to vector<1xf32>
      %squeeze3A_132 = vector.extract %slice3A_131[0] : f32 from vector<1xf32>
      %mul3A_133 = arith.constant 16 : i32
      %mul3A_134 = arith.muli %scan3A_64, %mul3A_133 : i32
      %get3A_135 = arith.constant 6 : i32
      %get3A_136 = arith.index_cast %get3A_135 : i32 to index
      %get3A_137 = arith.index_cast %mul3A_134 : i32 to index
      %get3A_138 = tpu.vector_load %arg8[%get3A_136, %get3A_137] {strides = array<i32>} : memref<8x1024xf32, #tpu.memory_space<vmem>>, vector<16xf32>,
      %mul3A_139 = vector.broadcast %squeeze3A_132 : f32 to vector<16xf32>
      %mul3A_140 = arith.mulf %mul3A_139, %get3A_138 : vector<16xf32>
      %add3A_141 = arith.addf %add3A_130, %mul3A_140 : vector<16xf32>
      %slice3A_142 = vector.extract_strided_slice %div3A {offsets = [7], sizes = [1], strides = [1]} : vector<16xf32> to vector<1xf32>
      %squeeze3A_143 = vector.extract %slice3A_142[0] : f32 from vector<1xf32>
      %mul3A_144 = arith.constant 16 : i32
      %mul3A_145 = arith.muli %scan3A_64, %mul3A_144 : i32
      %get3A_146 = arith.constant 7 : i32
      %get3A_147 = arith.index_cast %get3A_146 : i32 to index
      %get3A_148 = arith.index_cast %mul3A_145 : i32 to index
      %get3A_149 = tpu.vector_load %arg8[%get3A_147, %get3A_148] {strides = array<i32>} : memref<8x1024xf32, #tpu.memory_space<vmem>>, vector<16xf32>,
      %mul3A_150 = vector.broadcast %squeeze3A_143 : f32 to vector<16xf32>
      %mul3A_151 = arith.mulf %mul3A_150, %get3A_149 : vector<16xf32>
      %add3A_152 = arith.addf %add3A_141, %mul3A_151 : vector<16xf32>
      %mul3A_153 = arith.constant 16 : i32
      %mul3A_154 = arith.muli %scan3A_64, %mul3A_153 : i32
      %swap3A_155 = arith.index_cast %mul3A_154 : i32 to index
      %swap3A_156 = tpu.vector_load %arg9[%swap3A_155] {strides = array<i32>} : memref<1024xf32, #tpu.memory_space<vmem>>, vector<16xf32>,
      tpu.vector_store %arg9[%swap3A_155], %add3A_152 {strides = array<i32>} : memref<1024xf32, #tpu.memory_space<vmem>>, vector<16xf32>,
      %scan3A_157 = arith.constant 0 : i32
      scf.yield %scan3A_157 : i32
    }
    %scan3A_63 = arith.constant 64 : i32
    "tpu.region"() ({
      %run_scoped3A = tpu.sem_alloc : memref<!tpu.dma_semaphore, #tpu.memory_space<semaphore_mem>>
      %dma_start3A_64 = arith.constant 0 : i32
      %dma_start3A_65 = tpu.memref_slice %arg5[%add3A, %dma_start3A_64] : memref<32x1024xf32, #tpu.memory_space<hbm>> -> memref<1x1024xf32, #tpu.memory_space<hbm>>
      %dma_start3A_66 = tpu.memref_squeeze %dma_start3A_65 : memref<1x1024xf32, #tpu.memory_space<hbm>> -> memref<1024xf32, #tpu.memory_space<hbm>>
      %dma_start3A_67 = arith.constant 0 : i32
      %dma_start3A_68 = tpu.memref_slice %arg5[%add3A, %dma_start3A_67] : memref<32x1024xf32, #tpu.memory_space<hbm>> -> memref<1x1024xf32, #tpu.memory_space<hbm>>
      %dma_start3A_69 = tpu.memref_squeeze %dma_start3A_68 : memref<1x1024xf32, #tpu.memory_space<hbm>> -> memref<1024xf32, #tpu.memory_space<hbm>>
      tpu.enqueue_dma source(%arg9 : memref<1024xf32, #tpu.memory_space<vmem>>) target(%dma_start3A_69 : memref<1024xf32, #tpu.memory_space<hbm>>) target_semaphore(%run_scoped3A : memref<!tpu.dma_semaphore, #tpu.memory_space<semaphore_mem>>)
      %dma_wait3A_70 = arith.constant 0 : i32
      %dma_wait3A_71 = tpu.memref_slice %arg5[%add3A, %dma_wait3A_70] : memref<32x1024xf32, #tpu.memory_space<hbm>> -> memref<1x1024xf32, #tpu.memory_space<hbm>>
      %dma_wait3A_72 = tpu.memref_squeeze %dma_wait3A_71 : memref<1x1024xf32, #tpu.memory_space<hbm>> -> memref<1024xf32, #tpu.memory_space<hbm>>
      %dma_wait3A_73 = arith.constant 0 : i32
      %dma_wait3A_74 = tpu.memref_slice %arg5[%add3A, %dma_wait3A_73] : memref<32x1024xf32, #tpu.memory_space<hbm>> -> memref<1x1024xf32, #tpu.memory_space<hbm>>
      %dma_wait3A_75 = tpu.memref_squeeze %dma_wait3A_74 : memref<1x1024xf32, #tpu.memory_space<hbm>> -> memref<1024xf32, #tpu.memory_space<hbm>>
      tpu.wait_dma2 semaphore(%run_scoped3A : memref<!tpu.dma_semaphore, #tpu.memory_space<semaphore_mem>>) src(%arg9 : memref<1024xf32, #tpu.memory_space<vmem>>) dst(%dma_wait3A_75 : memref<1024xf32, #tpu.memory_space<hbm>>)
      tpu.yield
    }) : () -> ()
    return
  }
}

module attributes {stable_mosaic.version = 14 : i64} {
  func.func @_proj_body(%arg0: memref<32x1024xf32, #tpu.memory_space<vmem>>, %arg1: memref<1024x1024xf32, #tpu.memory_space<vmem>>, %arg2: memref<32x1024xf32, #tpu.memory_space<vmem>>) attributes {dimension_semantics = [], scalar_prefetch = 0 : i64, scratch_operands = 0 : i64, tpu.core_type = #tpu.core_type<tc>} {
    %get3A = arith.constant 0 : index
    %get3A_0 = arith.constant 0 : index
    %get3A_1 = vector.load %arg0[%get3A, %get3A_0] : memref<32x1024xf32, #tpu.memory_space<vmem>>, vector<32x1024xf32>
    %get3A_2 = arith.constant 0 : index
    %get3A_3 = arith.constant 0 : index
    %get3A_4 = vector.load %arg1[%get3A_2, %get3A_3] : memref<1024x1024xf32, #tpu.memory_space<vmem>>, vector<1024x1024xf32>
    %dot_general3A = arith.constant dense<0.000000e+00> : vector<32x1024xf32>
    %dot_general3A_5 = tpu.matmul %get3A_1, %get3A_4, %dot_general3A {dimension_numbers = #tpu.dot_dimension_numbers<[1], [1], [0], [0], [0, 0, 1, 0], [], []>, transpose_lhs_hint = false} : vector<32x1024xf32>, vector<1024x1024xf32>, vector<32x1024xf32> -> vector<32x1024xf32>
    %swap3A = arith.constant 0 : index
    %swap3A_6 = arith.constant 0 : index
    %swap3A_7 = vector.load %arg2[%swap3A, %swap3A_6] : memref<32x1024xf32, #tpu.memory_space<vmem>>, vector<32x1024xf32>
    tpu.vector_store %arg2[%swap3A, %swap3A_6], %dot_general3A_5 {strides = array<i32>} : memref<32x1024xf32, #tpu.memory_space<vmem>>, vector<32x1024xf32>,
    return
  }
}

module attributes {stable_mosaic.version = 14 : i64} {
  func.func @_score_topk_body(%arg0: i32, %arg1: memref<32x1024xf32, #tpu.memory_space<vmem>>, %arg2: memref<1024x1024xf32, #tpu.memory_space<vmem>>, %arg3: memref<2944x1024xf32, #tpu.memory_space<vmem>>, %arg4: memref<32x16xf32, #tpu.memory_space<vmem>>, %arg5: memref<32x16xi32, #tpu.memory_space<vmem>>, %arg6: memref<32x1024xf32, #tpu.memory_space<vmem>>, %arg7: memref<32x1024xf32, #tpu.memory_space<vmem>>, %arg8: memref<32x1024xi32, #tpu.memory_space<vmem>>) attributes {dimension_semantics = [#tpu.dimension_semantics<arbitrary>], iteration_bounds = array<i64: 34>, scalar_prefetch = 0 : i64, scratch_operands = 3 : i64, tpu.core_type = #tpu.core_type<tc>, window_params = [{pipeline_mode = #tpu.pipeline_mode<synchronous>, transform_indices = @transform_0, window_bounds = array<i64: 32, 1024>}, {pipeline_mode = #tpu.pipeline_mode<synchronous>, transform_indices = @transform_1, window_bounds = array<i64: 1024, 1024>}, {transform_indices = @transform_2, window_bounds = array<i64: 2944, 1024>}, {pipeline_mode = #tpu.pipeline_mode<synchronous>, transform_indices = @transform_3, window_bounds = array<i64: 32, 16>}, {pipeline_mode = #tpu.pipeline_mode<synchronous>, transform_indices = @transform_4, window_bounds = array<i64: 32, 16>}]} {
    %eq3A = arith.constant 0 : i32
    %eq3A_0 = arith.cmpi eq, %arg0, %eq3A : i32
    %convert_element_type3A = arith.extui %eq3A_0 : i1 to i32
    %cond3A = arith.constant 0 : i32
    %cond3A_1 = arith.cmpi ne, %convert_element_type3A, %cond3A : i32
    scf.if %cond3A_1 {
      %get3A_1274 = arith.constant 0 : index
      %get3A_1275 = arith.constant 0 : index
      %get3A_1276 = vector.load %arg1[%get3A_1274, %get3A_1275] : memref<32x1024xf32, #tpu.memory_space<vmem>>, vector<32x1024xf32>
      %get3A_1277 = arith.constant 0 : index
      %get3A_1278 = arith.constant 0 : index
      %get3A_1279 = vector.load %arg2[%get3A_1277, %get3A_1278] : memref<1024x1024xf32, #tpu.memory_space<vmem>>, vector<1024x1024xf32>
      %dot_general3A_1280 = arith.constant dense<0.000000e+00> : vector<32x1024xf32>
      %dot_general3A_1281 = tpu.matmul %get3A_1276, %get3A_1279, %dot_general3A_1280 {dimension_numbers = #tpu.dot_dimension_numbers<[1], [1], [0], [0], [0, 0, 1, 0], [], []>, transpose_lhs_hint = false} : vector<32x1024xf32>, vector<1024x1024xf32>, vector<32x1024xf32> -> vector<32x1024xf32>
      %swap3A_1282 = arith.constant 0 : index
      %swap3A_1283 = arith.constant 0 : index
      %swap3A_1284 = vector.load %arg6[%swap3A_1282, %swap3A_1283] : memref<32x1024xf32, #tpu.memory_space<vmem>>, vector<32x1024xf32>
      tpu.vector_store %arg6[%swap3A_1282, %swap3A_1283], %dot_general3A_1281 {strides = array<i32>} : memref<32x1024xf32, #tpu.memory_space<vmem>>, vector<32x1024xf32>,
      %broadcast_in_dim3A_1285 = arith.constant -1.000000e+30 : f32
      %broadcast_in_dim3A_1286 = vector.broadcast %broadcast_in_dim3A_1285 : f32 to vector<32x1024xf32>
      %swap3A_1287 = arith.constant 0 : index
      %swap3A_1288 = arith.constant 0 : index
      %swap3A_1289 = vector.load %arg7[%swap3A_1287, %swap3A_1288] : memref<32x1024xf32, #tpu.memory_space<vmem>>, vector<32x1024xf32>
      tpu.vector_store %arg7[%swap3A_1287, %swap3A_1288], %broadcast_in_dim3A_1286 {strides = array<i32>} : memref<32x1024xf32, #tpu.memory_space<vmem>>, vector<32x1024xf32>,
      %broadcast_in_dim3A_1290 = arith.constant 0 : i32
      %broadcast_in_dim3A_1291 = vector.broadcast %broadcast_in_dim3A_1290 : i32 to vector<32x1024xi32>
      %swap3A_1292 = arith.constant 0 : index
      %swap3A_1293 = arith.constant 0 : index
      %swap3A_1294 = vector.load %arg8[%swap3A_1292, %swap3A_1293] : memref<32x1024xi32, #tpu.memory_space<vmem>>, vector<32x1024xi32>
      tpu.vector_store %arg8[%swap3A_1292, %swap3A_1293], %broadcast_in_dim3A_1291 {strides = array<i32>} : memref<32x1024xi32, #tpu.memory_space<vmem>>, vector<32x1024xi32>,
    } else {
    }
    %get3A = arith.constant 0 : index
    %get3A_2 = arith.constant 0 : index
    %get3A_3 = vector.load %arg6[%get3A, %get3A_2] : memref<32x1024xf32, #tpu.memory_space<vmem>>, vector<32x1024xf32>
    %get3A_4 = arith.constant 0 : index
    %get3A_5 = arith.constant 0 : index
    %get3A_6 = vector.load %arg3[%get3A_4, %get3A_5] : memref<2944x1024xf32, #tpu.memory_space<vmem>>, vector<2944x1024xf32>
    %dot_general3A = arith.constant dense<0.000000e+00> : vector<32x2944xf32>
    %dot_general3A_7 = tpu.matmul %get3A_3, %get3A_6, %dot_general3A {dimension_numbers = #tpu.dot_dimension_numbers<[1], [1], [0], [0], [0, 0, 1, 0], [], []>, transpose_lhs_hint = false} : vector<32x1024xf32>, vector<2944x1024xf32>, vector<32x2944xf32> -> vector<32x2944xf32>
    %mul3A = arith.constant 3.125000e-02 : f32
    %mul3A_8 = vector.broadcast %mul3A : f32 to vector<32x2944xf32>
    %mul3A_9 = arith.mulf %dot_general3A_7, %mul3A_8 : vector<32x2944xf32>
    %iota3A = tpu.iota {dimensions = array<i32: 1>} : vector<32x128xi32>
    %get3A_10 = arith.constant 0 : index
    %get3A_11 = arith.constant 0 : index
    %get3A_12 = vector.load %arg7[%get3A_10, %get3A_11] : memref<32x1024xf32, #tpu.memory_space<vmem>>, vector<32x128xf32>
    %get3A_13 = arith.constant 0 : index
    %get3A_14 = arith.constant 128 : index
    %get3A_15 = vector.load %arg7[%get3A_13, %get3A_14] : memref<32x1024xf32, #tpu.memory_space<vmem>>, vector<32x128xf32>
    %get3A_16 = arith.constant 0 : index
    %get3A_17 = arith.constant 256 : index
    %get3A_18 = vector.load %arg7[%get3A_16, %get3A_17] : memref<32x1024xf32, #tpu.memory_space<vmem>>, vector<32x128xf32>
    %get3A_19 = arith.constant 0 : index
    %get3A_20 = arith.constant 384 : index
    %get3A_21 = vector.load %arg7[%get3A_19, %get3A_20] : memref<32x1024xf32, #tpu.memory_space<vmem>>, vector<32x128xf32>
    %get3A_22 = arith.constant 0 : index
    %get3A_23 = arith.constant 512 : index
    %get3A_24 = vector.load %arg7[%get3A_22, %get3A_23] : memref<32x1024xf32, #tpu.memory_space<vmem>>, vector<32x128xf32>
    %get3A_25 = arith.constant 0 : index
    %get3A_26 = arith.constant 640 : index
    %get3A_27 = vector.load %arg7[%get3A_25, %get3A_26] : memref<32x1024xf32, #tpu.memory_space<vmem>>, vector<32x128xf32>
    %get3A_28 = arith.constant 0 : index
    %get3A_29 = arith.constant 768 : index
    %get3A_30 = vector.load %arg7[%get3A_28, %get3A_29] : memref<32x1024xf32, #tpu.memory_space<vmem>>, vector<32x128xf32>
    %get3A_31 = arith.constant 0 : index
    %get3A_32 = arith.constant 896 : index
    %get3A_33 = vector.load %arg7[%get3A_31, %get3A_32] : memref<32x1024xf32, #tpu.memory_space<vmem>>, vector<32x128xf32>
    %get3A_34 = arith.constant 0 : index
    %get3A_35 = arith.constant 0 : index
    %get3A_36 = vector.load %arg8[%get3A_34, %get3A_35] : memref<32x1024xi32, #tpu.memory_space<vmem>>, vector<32x128xi32>
    %get3A_37 = arith.constant 0 : index
    %get3A_38 = arith.constant 128 : index
    %get3A_39 = vector.load %arg8[%get3A_37, %get3A_38] : memref<32x1024xi32, #tpu.memory_space<vmem>>, vector<32x128xi32>
    %get3A_40 = arith.constant 0 : index
    %get3A_41 = arith.constant 256 : index
    %get3A_42 = vector.load %arg8[%get3A_40, %get3A_41] : memref<32x1024xi32, #tpu.memory_space<vmem>>, vector<32x128xi32>
    %get3A_43 = arith.constant 0 : index
    %get3A_44 = arith.constant 384 : index
    %get3A_45 = vector.load %arg8[%get3A_43, %get3A_44] : memref<32x1024xi32, #tpu.memory_space<vmem>>, vector<32x128xi32>
    %get3A_46 = arith.constant 0 : index
    %get3A_47 = arith.constant 512 : index
    %get3A_48 = vector.load %arg8[%get3A_46, %get3A_47] : memref<32x1024xi32, #tpu.memory_space<vmem>>, vector<32x128xi32>
    %get3A_49 = arith.constant 0 : index
    %get3A_50 = arith.constant 640 : index
    %get3A_51 = vector.load %arg8[%get3A_49, %get3A_50] : memref<32x1024xi32, #tpu.memory_space<vmem>>, vector<32x128xi32>
    %get3A_52 = arith.constant 0 : index
    %get3A_53 = arith.constant 768 : index
    %get3A_54 = vector.load %arg8[%get3A_52, %get3A_53] : memref<32x1024xi32, #tpu.memory_space<vmem>>, vector<32x128xi32>
    %get3A_55 = arith.constant 0 : index
    %get3A_56 = arith.constant 896 : index
    %get3A_57 = vector.load %arg8[%get3A_55, %get3A_56] : memref<32x1024xi32, #tpu.memory_space<vmem>>, vector<32x128xi32>
    %slice3A = vector.extract_strided_slice %mul3A_9 {offsets = [0, 0], sizes = [32, 128], strides = [1, 1]} : vector<32x2944xf32> to vector<32x128xf32>
    %mul3A_58 = arith.constant 2944 : i32
    %mul3A_59 = arith.muli %arg0, %mul3A_58 : i32
    %add3A = arith.constant 0 : i32
    %add3A_60 = arith.addi %mul3A_59, %add3A : i32
    %add3A_61 = vector.broadcast %add3A_60 : i32 to vector<32x128xi32>
    %add3A_62 = arith.addi %iota3A, %add3A_61 : vector<32x128xi32>
    %lt3A = arith.constant 100000 : i32
    %lt3A_63 = vector.broadcast %lt3A : i32 to vector<32x128xi32>
    %lt3A_64 = arith.cmpi slt, %add3A_62, %lt3A_63 : vector<32x128xi32>
    %jit3A = arith.constant -1.000000e+30 : f32
    %broadcast_in_dim3A = vector.broadcast %jit3A : f32 to vector<32x128xf32>
    %select_n3A = arith.select %lt3A_64, %slice3A, %broadcast_in_dim3A : vector<32x128xi1>, vector<32x128xf32>
    %gt3A = arith.cmpf ogt, %select_n3A, %get3A_12 : vector<32x128xf32>
    %max3A = arith.maximumf %select_n3A, %get3A_12 : vector<32x128xf32>
    %min3A = arith.minimumf %select_n3A, %get3A_12 : vector<32x128xf32>
    %select_n3A_65 = arith.select %gt3A, %add3A_62, %get3A_36 : vector<32x128xi1>, vector<32x128xi32>
    %select_n3A_66 = arith.select %gt3A, %get3A_36, %add3A_62 : vector<32x128xi1>, vector<32x128xi32>
    %gt3A_67 = arith.cmpf ogt, %min3A, %get3A_15 : vector<32x128xf32>
    %max3A_68 = arith.maximumf %min3A, %get3A_15 : vector<32x128xf32>
    %min3A_69 = arith.minimumf %min3A, %get3A_15 : vector<32x128xf32>
    %select_n3A_70 = arith.select %gt3A_67, %select_n3A_66, %get3A_39 : vector<32x128xi1>, vector<32x128xi32>
    %select_n3A_71 = arith.select %gt3A_67, %get3A_39, %select_n3A_66 : vector<32x128xi1>, vector<32x128xi32>
    %gt3A_72 = arith.cmpf ogt, %min3A_69, %get3A_18 : vector<32x128xf32>
    %max3A_73 = arith.maximumf %min3A_69, %get3A_18 : vector<32x128xf32>
    %min3A_74 = arith.minimumf %min3A_69, %get3A_18 : vector<32x128xf32>
    %select_n3A_75 = arith.select %gt3A_72, %select_n3A_71, %get3A_42 : vector<32x128xi1>, vector<32x128xi32>
    %select_n3A_76 = arith.select %gt3A_72, %get3A_42, %select_n3A_71 : vector<32x128xi1>, vector<32x128xi32>
    %gt3A_77 = arith.cmpf ogt, %min3A_74, %get3A_21 : vector<32x128xf32>
    %max3A_78 = arith.maximumf %min3A_74, %get3A_21 : vector<32x128xf32>
    %min3A_79 = arith.minimumf %min3A_74, %get3A_21 : vector<32x128xf32>
    %select_n3A_80 = arith.select %gt3A_77, %select_n3A_76, %get3A_45 : vector<32x128xi1>, vector<32x128xi32>
    %select_n3A_81 = arith.select %gt3A_77, %get3A_45, %select_n3A_76 : vector<32x128xi1>, vector<32x128xi32>
    %gt3A_82 = arith.cmpf ogt, %min3A_79, %get3A_24 : vector<32x128xf32>
    %max3A_83 = arith.maximumf %min3A_79, %get3A_24 : vector<32x128xf32>
    %min3A_84 = arith.minimumf %min3A_79, %get3A_24 : vector<32x128xf32>
    %select_n3A_85 = arith.select %gt3A_82, %select_n3A_81, %get3A_48 : vector<32x128xi1>, vector<32x128xi32>
    %select_n3A_86 = arith.select %gt3A_82, %get3A_48, %select_n3A_81 : vector<32x128xi1>, vector<32x128xi32>
    %gt3A_87 = arith.cmpf ogt, %min3A_84, %get3A_27 : vector<32x128xf32>
    %max3A_88 = arith.maximumf %min3A_84, %get3A_27 : vector<32x128xf32>
    %min3A_89 = arith.minimumf %min3A_84, %get3A_27 : vector<32x128xf32>
    %select_n3A_90 = arith.select %gt3A_87, %select_n3A_86, %get3A_51 : vector<32x128xi1>, vector<32x128xi32>
    %select_n3A_91 = arith.select %gt3A_87, %get3A_51, %select_n3A_86 : vector<32x128xi1>, vector<32x128xi32>
    %gt3A_92 = arith.cmpf ogt, %min3A_89, %get3A_30 : vector<32x128xf32>
    %max3A_93 = arith.maximumf %min3A_89, %get3A_30 : vector<32x128xf32>
    %min3A_94 = arith.minimumf %min3A_89, %get3A_30 : vector<32x128xf32>
    %select_n3A_95 = arith.select %gt3A_92, %select_n3A_91, %get3A_54 : vector<32x128xi1>, vector<32x128xi32>
    %select_n3A_96 = arith.select %gt3A_92, %get3A_54, %select_n3A_91 : vector<32x128xi1>, vector<32x128xi32>
    %gt3A_97 = arith.cmpf ogt, %min3A_94, %get3A_33 : vector<32x128xf32>
    %max3A_98 = arith.maximumf %min3A_94, %get3A_33 : vector<32x128xf32>
    %select_n3A_99 = arith.select %gt3A_97, %select_n3A_96, %get3A_57 : vector<32x128xi1>, vector<32x128xi32>
    %slice3A_100 = vector.extract_strided_slice %mul3A_9 {offsets = [0, 128], sizes = [32, 128], strides = [1, 1]} : vector<32x2944xf32> to vector<32x128xf32>
    %mul3A_101 = arith.constant 2944 : i32
    %mul3A_102 = arith.muli %arg0, %mul3A_101 : i32
    %add3A_103 = arith.constant 128 : i32
    %add3A_104 = arith.addi %mul3A_102, %add3A_103 : i32
    %add3A_105 = vector.broadcast %add3A_104 : i32 to vector<32x128xi32>
    %add3A_106 = arith.addi %iota3A, %add3A_105 : vector<32x128xi32>
    %lt3A_107 = arith.constant 100000 : i32
    %lt3A_108 = vector.broadcast %lt3A_107 : i32 to vector<32x128xi32>
    %lt3A_109 = arith.cmpi slt, %add3A_106, %lt3A_108 : vector<32x128xi32>
    %jit3A_110 = arith.constant -1.000000e+30 : f32
    %broadcast_in_dim3A_111 = vector.broadcast %jit3A_110 : f32 to vector<32x128xf32>
    %select_n3A_112 = arith.select %lt3A_109, %slice3A_100, %broadcast_in_dim3A_111 : vector<32x128xi1>, vector<32x128xf32>
    %gt3A_113 = arith.cmpf ogt, %select_n3A_112, %max3A : vector<32x128xf32>
    %max3A_114 = arith.maximumf %select_n3A_112, %max3A : vector<32x128xf32>
    %min3A_115 = arith.minimumf %select_n3A_112, %max3A : vector<32x128xf32>
    %select_n3A_116 = arith.select %gt3A_113, %add3A_106, %select_n3A_65 : vector<32x128xi1>, vector<32x128xi32>
    %select_n3A_117 = arith.select %gt3A_113, %select_n3A_65, %add3A_106 : vector<32x128xi1>, vector<32x128xi32>
    %gt3A_118 = arith.cmpf ogt, %min3A_115, %max3A_68 : vector<32x128xf32>
    %max3A_119 = arith.maximumf %min3A_115, %max3A_68 : vector<32x128xf32>
    %min3A_120 = arith.minimumf %min3A_115, %max3A_68 : vector<32x128xf32>
    %select_n3A_121 = arith.select %gt3A_118, %select_n3A_117, %select_n3A_70 : vector<32x128xi1>, vector<32x128xi32>
    %select_n3A_122 = arith.select %gt3A_118, %select_n3A_70, %select_n3A_117 : vector<32x128xi1>, vector<32x128xi32>
    %gt3A_123 = arith.cmpf ogt, %min3A_120, %max3A_73 : vector<32x128xf32>
    %max3A_124 = arith.maximumf %min3A_120, %max3A_73 : vector<32x128xf32>
    %min3A_125 = arith.minimumf %min3A_120, %max3A_73 : vector<32x128xf32>
    %select_n3A_126 = arith.select %gt3A_123, %select_n3A_122, %select_n3A_75 : vector<32x128xi1>, vector<32x128xi32>
    %select_n3A_127 = arith.select %gt3A_123, %select_n3A_75, %select_n3A_122 : vector<32x128xi1>, vector<32x128xi32>
    %gt3A_128 = arith.cmpf ogt, %min3A_125, %max3A_78 : vector<32x128xf32>
    %max3A_129 = arith.maximumf %min3A_125, %max3A_78 : vector<32x128xf32>
    %min3A_130 = arith.minimumf %min3A_125, %max3A_78 : vector<32x128xf32>
    %select_n3A_131 = arith.select %gt3A_128, %select_n3A_127, %select_n3A_80 : vector<32x128xi1>, vector<32x128xi32>
    %select_n3A_132 = arith.select %gt3A_128, %select_n3A_80, %select_n3A_127 : vector<32x128xi1>, vector<32x128xi32>
    %gt3A_133 = arith.cmpf ogt, %min3A_130, %max3A_83 : vector<32x128xf32>
    %max3A_134 = arith.maximumf %min3A_130, %max3A_83 : vector<32x128xf32>
    %min3A_135 = arith.minimumf %min3A_130, %max3A_83 : vector<32x128xf32>
    %select_n3A_136 = arith.select %gt3A_133, %select_n3A_132, %select_n3A_85 : vector<32x128xi1>, vector<32x128xi32>
    %select_n3A_137 = arith.select %gt3A_133, %select_n3A_85, %select_n3A_132 : vector<32x128xi1>, vector<32x128xi32>
    %gt3A_138 = arith.cmpf ogt, %min3A_135, %max3A_88 : vector<32x128xf32>
    %max3A_139 = arith.maximumf %min3A_135, %max3A_88 : vector<32x128xf32>
    %min3A_140 = arith.minimumf %min3A_135, %max3A_88 : vector<32x128xf32>
    %select_n3A_141 = arith.select %gt3A_138, %select_n3A_137, %select_n3A_90 : vector<32x128xi1>, vector<32x128xi32>
    %select_n3A_142 = arith.select %gt3A_138, %select_n3A_90, %select_n3A_137 : vector<32x128xi1>, vector<32x128xi32>
    %gt3A_143 = arith.cmpf ogt, %min3A_140, %max3A_93 : vector<32x128xf32>
    %max3A_144 = arith.maximumf %min3A_140, %max3A_93 : vector<32x128xf32>
    %min3A_145 = arith.minimumf %min3A_140, %max3A_93 : vector<32x128xf32>
    %select_n3A_146 = arith.select %gt3A_143, %select_n3A_142, %select_n3A_95 : vector<32x128xi1>, vector<32x128xi32>
    %select_n3A_147 = arith.select %gt3A_143, %select_n3A_95, %select_n3A_142 : vector<32x128xi1>, vector<32x128xi32>
    %gt3A_148 = arith.cmpf ogt, %min3A_145, %max3A_98 : vector<32x128xf32>
    %max3A_149 = arith.maximumf %min3A_145, %max3A_98 : vector<32x128xf32>
    %select_n3A_150 = arith.select %gt3A_148, %select_n3A_147, %select_n3A_99 : vector<32x128xi1>, vector<32x128xi32>
    %slice3A_151 = vector.extract_strided_slice %mul3A_9 {offsets = [0, 256], sizes = [32, 128], strides = [1, 1]} : vector<32x2944xf32> to vector<32x128xf32>
    %mul3A_152 = arith.constant 2944 : i32
    %mul3A_153 = arith.muli %arg0, %mul3A_152 : i32
    %add3A_154 = arith.constant 256 : i32
    %add3A_155 = arith.addi %mul3A_153, %add3A_154 : i32
    %add3A_156 = vector.broadcast %add3A_155 : i32 to vector<32x128xi32>
    %add3A_157 = arith.addi %iota3A, %add3A_156 : vector<32x128xi32>
    %lt3A_158 = arith.constant 100000 : i32
    %lt3A_159 = vector.broadcast %lt3A_158 : i32 to vector<32x128xi32>
    %lt3A_160 = arith.cmpi slt, %add3A_157, %lt3A_159 : vector<32x128xi32>
    %jit3A_161 = arith.constant -1.000000e+30 : f32
    %broadcast_in_dim3A_162 = vector.broadcast %jit3A_161 : f32 to vector<32x128xf32>
    %select_n3A_163 = arith.select %lt3A_160, %slice3A_151, %broadcast_in_dim3A_162 : vector<32x128xi1>, vector<32x128xf32>
    %gt3A_164 = arith.cmpf ogt, %select_n3A_163, %max3A_114 : vector<32x128xf32>
    %max3A_165 = arith.maximumf %select_n3A_163, %max3A_114 : vector<32x128xf32>
    %min3A_166 = arith.minimumf %select_n3A_163, %max3A_114 : vector<32x128xf32>
    %select_n3A_167 = arith.select %gt3A_164, %add3A_157, %select_n3A_116 : vector<32x128xi1>, vector<32x128xi32>
    %select_n3A_168 = arith.select %gt3A_164, %select_n3A_116, %add3A_157 : vector<32x128xi1>, vector<32x128xi32>
    %gt3A_169 = arith.cmpf ogt, %min3A_166, %max3A_119 : vector<32x128xf32>
    %max3A_170 = arith.maximumf %min3A_166, %max3A_119 : vector<32x128xf32>
    %min3A_171 = arith.minimumf %min3A_166, %max3A_119 : vector<32x128xf32>
    %select_n3A_172 = arith.select %gt3A_169, %select_n3A_168, %select_n3A_121 : vector<32x128xi1>, vector<32x128xi32>
    %select_n3A_173 = arith.select %gt3A_169, %select_n3A_121, %select_n3A_168 : vector<32x128xi1>, vector<32x128xi32>
    %gt3A_174 = arith.cmpf ogt, %min3A_171, %max3A_124 : vector<32x128xf32>
    %max3A_175 = arith.maximumf %min3A_171, %max3A_124 : vector<32x128xf32>
    %min3A_176 = arith.minimumf %min3A_171, %max3A_124 : vector<32x128xf32>
    %select_n3A_177 = arith.select %gt3A_174, %select_n3A_173, %select_n3A_126 : vector<32x128xi1>, vector<32x128xi32>
    %select_n3A_178 = arith.select %gt3A_174, %select_n3A_126, %select_n3A_173 : vector<32x128xi1>, vector<32x128xi32>
    %gt3A_179 = arith.cmpf ogt, %min3A_176, %max3A_129 : vector<32x128xf32>
    %max3A_180 = arith.maximumf %min3A_176, %max3A_129 : vector<32x128xf32>
    %min3A_181 = arith.minimumf %min3A_176, %max3A_129 : vector<32x128xf32>
    %select_n3A_182 = arith.select %gt3A_179, %select_n3A_178, %select_n3A_131 : vector<32x128xi1>, vector<32x128xi32>
    %select_n3A_183 = arith.select %gt3A_179, %select_n3A_131, %select_n3A_178 : vector<32x128xi1>, vector<32x128xi32>
    %gt3A_184 = arith.cmpf ogt, %min3A_181, %max3A_134 : vector<32x128xf32>
    %max3A_185 = arith.maximumf %min3A_181, %max3A_134 : vector<32x128xf32>
    %min3A_186 = arith.minimumf %min3A_181, %max3A_134 : vector<32x128xf32>
    %select_n3A_187 = arith.select %gt3A_184, %select_n3A_183, %select_n3A_136 : vector<32x128xi1>, vector<32x128xi32>
    %select_n3A_188 = arith.select %gt3A_184, %select_n3A_136, %select_n3A_183 : vector<32x128xi1>, vector<32x128xi32>
    %gt3A_189 = arith.cmpf ogt, %min3A_186, %max3A_139 : vector<32x128xf32>
    %max3A_190 = arith.maximumf %min3A_186, %max3A_139 : vector<32x128xf32>
    %min3A_191 = arith.minimumf %min3A_186, %max3A_139 : vector<32x128xf32>
    %select_n3A_192 = arith.select %gt3A_189, %select_n3A_188, %select_n3A_141 : vector<32x128xi1>, vector<32x128xi32>
    %select_n3A_193 = arith.select %gt3A_189, %select_n3A_141, %select_n3A_188 : vector<32x128xi1>, vector<32x128xi32>
    %gt3A_194 = arith.cmpf ogt, %min3A_191, %max3A_144 : vector<32x128xf32>
    %max3A_195 = arith.maximumf %min3A_191, %max3A_144 : vector<32x128xf32>
    %min3A_196 = arith.minimumf %min3A_191, %max3A_144 : vector<32x128xf32>
    %select_n3A_197 = arith.select %gt3A_194, %select_n3A_193, %select_n3A_146 : vector<32x128xi1>, vector<32x128xi32>
    %select_n3A_198 = arith.select %gt3A_194, %select_n3A_146, %select_n3A_193 : vector<32x128xi1>, vector<32x128xi32>
    %gt3A_199 = arith.cmpf ogt, %min3A_196, %max3A_149 : vector<32x128xf32>
    %max3A_200 = arith.maximumf %min3A_196, %max3A_149 : vector<32x128xf32>
    %select_n3A_201 = arith.select %gt3A_199, %select_n3A_198, %select_n3A_150 : vector<32x128xi1>, vector<32x128xi32>
    %slice3A_202 = vector.extract_strided_slice %mul3A_9 {offsets = [0, 384], sizes = [32, 128], strides = [1, 1]} : vector<32x2944xf32> to vector<32x128xf32>
    %mul3A_203 = arith.constant 2944 : i32
    %mul3A_204 = arith.muli %arg0, %mul3A_203 : i32
    %add3A_205 = arith.constant 384 : i32
    %add3A_206 = arith.addi %mul3A_204, %add3A_205 : i32
    %add3A_207 = vector.broadcast %add3A_206 : i32 to vector<32x128xi32>
    %add3A_208 = arith.addi %iota3A, %add3A_207 : vector<32x128xi32>
    %lt3A_209 = arith.constant 100000 : i32
    %lt3A_210 = vector.broadcast %lt3A_209 : i32 to vector<32x128xi32>
    %lt3A_211 = arith.cmpi slt, %add3A_208, %lt3A_210 : vector<32x128xi32>
    %jit3A_212 = arith.constant -1.000000e+30 : f32
    %broadcast_in_dim3A_213 = vector.broadcast %jit3A_212 : f32 to vector<32x128xf32>
    %select_n3A_214 = arith.select %lt3A_211, %slice3A_202, %broadcast_in_dim3A_213 : vector<32x128xi1>, vector<32x128xf32>
    %gt3A_215 = arith.cmpf ogt, %select_n3A_214, %max3A_165 : vector<32x128xf32>
    %max3A_216 = arith.maximumf %select_n3A_214, %max3A_165 : vector<32x128xf32>
    %min3A_217 = arith.minimumf %select_n3A_214, %max3A_165 : vector<32x128xf32>
    %select_n3A_218 = arith.select %gt3A_215, %add3A_208, %select_n3A_167 : vector<32x128xi1>, vector<32x128xi32>
    %select_n3A_219 = arith.select %gt3A_215, %select_n3A_167, %add3A_208 : vector<32x128xi1>, vector<32x128xi32>
    %gt3A_220 = arith.cmpf ogt, %min3A_217, %max3A_170 : vector<32x128xf32>
    %max3A_221 = arith.maximumf %min3A_217, %max3A_170 : vector<32x128xf32>
    %min3A_222 = arith.minimumf %min3A_217, %max3A_170 : vector<32x128xf32>
    %select_n3A_223 = arith.select %gt3A_220, %select_n3A_219, %select_n3A_172 : vector<32x128xi1>, vector<32x128xi32>
    %select_n3A_224 = arith.select %gt3A_220, %select_n3A_172, %select_n3A_219 : vector<32x128xi1>, vector<32x128xi32>
    %gt3A_225 = arith.cmpf ogt, %min3A_222, %max3A_175 : vector<32x128xf32>
    %max3A_226 = arith.maximumf %min3A_222, %max3A_175 : vector<32x128xf32>
    %min3A_227 = arith.minimumf %min3A_222, %max3A_175 : vector<32x128xf32>
    %select_n3A_228 = arith.select %gt3A_225, %select_n3A_224, %select_n3A_177 : vector<32x128xi1>, vector<32x128xi32>
    %select_n3A_229 = arith.select %gt3A_225, %select_n3A_177, %select_n3A_224 : vector<32x128xi1>, vector<32x128xi32>
    %gt3A_230 = arith.cmpf ogt, %min3A_227, %max3A_180 : vector<32x128xf32>
    %max3A_231 = arith.maximumf %min3A_227, %max3A_180 : vector<32x128xf32>
    %min3A_232 = arith.minimumf %min3A_227, %max3A_180 : vector<32x128xf32>
    %select_n3A_233 = arith.select %gt3A_230, %select_n3A_229, %select_n3A_182 : vector<32x128xi1>, vector<32x128xi32>
    %select_n3A_234 = arith.select %gt3A_230, %select_n3A_182, %select_n3A_229 : vector<32x128xi1>, vector<32x128xi32>
    %gt3A_235 = arith.cmpf ogt, %min3A_232, %max3A_185 : vector<32x128xf32>
    %max3A_236 = arith.maximumf %min3A_232, %max3A_185 : vector<32x128xf32>
    %min3A_237 = arith.minimumf %min3A_232, %max3A_185 : vector<32x128xf32>
    %select_n3A_238 = arith.select %gt3A_235, %select_n3A_234, %select_n3A_187 : vector<32x128xi1>, vector<32x128xi32>
    %select_n3A_239 = arith.select %gt3A_235, %select_n3A_187, %select_n3A_234 : vector<32x128xi1>, vector<32x128xi32>
    %gt3A_240 = arith.cmpf ogt, %min3A_237, %max3A_190 : vector<32x128xf32>
    %max3A_241 = arith.maximumf %min3A_237, %max3A_190 : vector<32x128xf32>
    %min3A_242 = arith.minimumf %min3A_237, %max3A_190 : vector<32x128xf32>
    %select_n3A_243 = arith.select %gt3A_240, %select_n3A_239, %select_n3A_192 : vector<32x128xi1>, vector<32x128xi32>
    %select_n3A_244 = arith.select %gt3A_240, %select_n3A_192, %select_n3A_239 : vector<32x128xi1>, vector<32x128xi32>
    %gt3A_245 = arith.cmpf ogt, %min3A_242, %max3A_195 : vector<32x128xf32>
    %max3A_246 = arith.maximumf %min3A_242, %max3A_195 : vector<32x128xf32>
    %min3A_247 = arith.minimumf %min3A_242, %max3A_195 : vector<32x128xf32>
    %select_n3A_248 = arith.select %gt3A_245, %select_n3A_244, %select_n3A_197 : vector<32x128xi1>, vector<32x128xi32>
    %select_n3A_249 = arith.select %gt3A_245, %select_n3A_197, %select_n3A_244 : vector<32x128xi1>, vector<32x128xi32>
    %gt3A_250 = arith.cmpf ogt, %min3A_247, %max3A_200 : vector<32x128xf32>
    %max3A_251 = arith.maximumf %min3A_247, %max3A_200 : vector<32x128xf32>
    %select_n3A_252 = arith.select %gt3A_250, %select_n3A_249, %select_n3A_201 : vector<32x128xi1>, vector<32x128xi32>
    %slice3A_253 = vector.extract_strided_slice %mul3A_9 {offsets = [0, 512], sizes = [32, 128], strides = [1, 1]} : vector<32x2944xf32> to vector<32x128xf32>
    %mul3A_254 = arith.constant 2944 : i32
    %mul3A_255 = arith.muli %arg0, %mul3A_254 : i32
    %add3A_256 = arith.constant 512 : i32
    %add3A_257 = arith.addi %mul3A_255, %add3A_256 : i32
    %add3A_258 = vector.broadcast %add3A_257 : i32 to vector<32x128xi32>
    %add3A_259 = arith.addi %iota3A, %add3A_258 : vector<32x128xi32>
    %lt3A_260 = arith.constant 100000 : i32
    %lt3A_261 = vector.broadcast %lt3A_260 : i32 to vector<32x128xi32>
    %lt3A_262 = arith.cmpi slt, %add3A_259, %lt3A_261 : vector<32x128xi32>
    %jit3A_263 = arith.constant -1.000000e+30 : f32
    %broadcast_in_dim3A_264 = vector.broadcast %jit3A_263 : f32 to vector<32x128xf32>
    %select_n3A_265 = arith.select %lt3A_262, %slice3A_253, %broadcast_in_dim3A_264 : vector<32x128xi1>, vector<32x128xf32>
    %gt3A_266 = arith.cmpf ogt, %select_n3A_265, %max3A_216 : vector<32x128xf32>
    %max3A_267 = arith.maximumf %select_n3A_265, %max3A_216 : vector<32x128xf32>
    %min3A_268 = arith.minimumf %select_n3A_265, %max3A_216 : vector<32x128xf32>
    %select_n3A_269 = arith.select %gt3A_266, %add3A_259, %select_n3A_218 : vector<32x128xi1>, vector<32x128xi32>
    %select_n3A_270 = arith.select %gt3A_266, %select_n3A_218, %add3A_259 : vector<32x128xi1>, vector<32x128xi32>
    %gt3A_271 = arith.cmpf ogt, %min3A_268, %max3A_221 : vector<32x128xf32>
    %max3A_272 = arith.maximumf %min3A_268, %max3A_221 : vector<32x128xf32>
    %min3A_273 = arith.minimumf %min3A_268, %max3A_221 : vector<32x128xf32>
    %select_n3A_274 = arith.select %gt3A_271, %select_n3A_270, %select_n3A_223 : vector<32x128xi1>, vector<32x128xi32>
    %select_n3A_275 = arith.select %gt3A_271, %select_n3A_223, %select_n3A_270 : vector<32x128xi1>, vector<32x128xi32>
    %gt3A_276 = arith.cmpf ogt, %min3A_273, %max3A_226 : vector<32x128xf32>
    %max3A_277 = arith.maximumf %min3A_273, %max3A_226 : vector<32x128xf32>
    %min3A_278 = arith.minimumf %min3A_273, %max3A_226 : vector<32x128xf32>
    %select_n3A_279 = arith.select %gt3A_276, %select_n3A_275, %select_n3A_228 : vector<32x128xi1>, vector<32x128xi32>
    %select_n3A_280 = arith.select %gt3A_276, %select_n3A_228, %select_n3A_275 : vector<32x128xi1>, vector<32x128xi32>
    %gt3A_281 = arith.cmpf ogt, %min3A_278, %max3A_231 : vector<32x128xf32>
    %max3A_282 = arith.maximumf %min3A_278, %max3A_231 : vector<32x128xf32>
    %min3A_283 = arith.minimumf %min3A_278, %max3A_231 : vector<32x128xf32>
    %select_n3A_284 = arith.select %gt3A_281, %select_n3A_280, %select_n3A_233 : vector<32x128xi1>, vector<32x128xi32>
    %select_n3A_285 = arith.select %gt3A_281, %select_n3A_233, %select_n3A_280 : vector<32x128xi1>, vector<32x128xi32>
    %gt3A_286 = arith.cmpf ogt, %min3A_283, %max3A_236 : vector<32x128xf32>
    %max3A_287 = arith.maximumf %min3A_283, %max3A_236 : vector<32x128xf32>
    %min3A_288 = arith.minimumf %min3A_283, %max3A_236 : vector<32x128xf32>
    %select_n3A_289 = arith.select %gt3A_286, %select_n3A_285, %select_n3A_238 : vector<32x128xi1>, vector<32x128xi32>
    %select_n3A_290 = arith.select %gt3A_286, %select_n3A_238, %select_n3A_285 : vector<32x128xi1>, vector<32x128xi32>
    %gt3A_291 = arith.cmpf ogt, %min3A_288, %max3A_241 : vector<32x128xf32>
    %max3A_292 = arith.maximumf %min3A_288, %max3A_241 : vector<32x128xf32>
    %min3A_293 = arith.minimumf %min3A_288, %max3A_241 : vector<32x128xf32>
    %select_n3A_294 = arith.select %gt3A_291, %select_n3A_290, %select_n3A_243 : vector<32x128xi1>, vector<32x128xi32>
    %select_n3A_295 = arith.select %gt3A_291, %select_n3A_243, %select_n3A_290 : vector<32x128xi1>, vector<32x128xi32>
    %gt3A_296 = arith.cmpf ogt, %min3A_293, %max3A_246 : vector<32x128xf32>
    %max3A_297 = arith.maximumf %min3A_293, %max3A_246 : vector<32x128xf32>
    %min3A_298 = arith.minimumf %min3A_293, %max3A_246 : vector<32x128xf32>
    %select_n3A_299 = arith.select %gt3A_296, %select_n3A_295, %select_n3A_248 : vector<32x128xi1>, vector<32x128xi32>
    %select_n3A_300 = arith.select %gt3A_296, %select_n3A_248, %select_n3A_295 : vector<32x128xi1>, vector<32x128xi32>
    %gt3A_301 = arith.cmpf ogt, %min3A_298, %max3A_251 : vector<32x128xf32>
    %max3A_302 = arith.maximumf %min3A_298, %max3A_251 : vector<32x128xf32>
    %select_n3A_303 = arith.select %gt3A_301, %select_n3A_300, %select_n3A_252 : vector<32x128xi1>, vector<32x128xi32>
    %slice3A_304 = vector.extract_strided_slice %mul3A_9 {offsets = [0, 640], sizes = [32, 128], strides = [1, 1]} : vector<32x2944xf32> to vector<32x128xf32>
    %mul3A_305 = arith.constant 2944 : i32
    %mul3A_306 = arith.muli %arg0, %mul3A_305 : i32
    %add3A_307 = arith.constant 640 : i32
    %add3A_308 = arith.addi %mul3A_306, %add3A_307 : i32
    %add3A_309 = vector.broadcast %add3A_308 : i32 to vector<32x128xi32>
    %add3A_310 = arith.addi %iota3A, %add3A_309 : vector<32x128xi32>
    %lt3A_311 = arith.constant 100000 : i32
    %lt3A_312 = vector.broadcast %lt3A_311 : i32 to vector<32x128xi32>
    %lt3A_313 = arith.cmpi slt, %add3A_310, %lt3A_312 : vector<32x128xi32>
    %jit3A_314 = arith.constant -1.000000e+30 : f32
    %broadcast_in_dim3A_315 = vector.broadcast %jit3A_314 : f32 to vector<32x128xf32>
    %select_n3A_316 = arith.select %lt3A_313, %slice3A_304, %broadcast_in_dim3A_315 : vector<32x128xi1>, vector<32x128xf32>
    %gt3A_317 = arith.cmpf ogt, %select_n3A_316, %max3A_267 : vector<32x128xf32>
    %max3A_318 = arith.maximumf %select_n3A_316, %max3A_267 : vector<32x128xf32>
    %min3A_319 = arith.minimumf %select_n3A_316, %max3A_267 : vector<32x128xf32>
    %select_n3A_320 = arith.select %gt3A_317, %add3A_310, %select_n3A_269 : vector<32x128xi1>, vector<32x128xi32>
    %select_n3A_321 = arith.select %gt3A_317, %select_n3A_269, %add3A_310 : vector<32x128xi1>, vector<32x128xi32>
    %gt3A_322 = arith.cmpf ogt, %min3A_319, %max3A_272 : vector<32x128xf32>
    %max3A_323 = arith.maximumf %min3A_319, %max3A_272 : vector<32x128xf32>
    %min3A_324 = arith.minimumf %min3A_319, %max3A_272 : vector<32x128xf32>
    %select_n3A_325 = arith.select %gt3A_322, %select_n3A_321, %select_n3A_274 : vector<32x128xi1>, vector<32x128xi32>
    %select_n3A_326 = arith.select %gt3A_322, %select_n3A_274, %select_n3A_321 : vector<32x128xi1>, vector<32x128xi32>
    %gt3A_327 = arith.cmpf ogt, %min3A_324, %max3A_277 : vector<32x128xf32>
    %max3A_328 = arith.maximumf %min3A_324, %max3A_277 : vector<32x128xf32>
    %min3A_329 = arith.minimumf %min3A_324, %max3A_277 : vector<32x128xf32>
    %select_n3A_330 = arith.select %gt3A_327, %select_n3A_326, %select_n3A_279 : vector<32x128xi1>, vector<32x128xi32>
    %select_n3A_331 = arith.select %gt3A_327, %select_n3A_279, %select_n3A_326 : vector<32x128xi1>, vector<32x128xi32>
    %gt3A_332 = arith.cmpf ogt, %min3A_329, %max3A_282 : vector<32x128xf32>
    %max3A_333 = arith.maximumf %min3A_329, %max3A_282 : vector<32x128xf32>
    %min3A_334 = arith.minimumf %min3A_329, %max3A_282 : vector<32x128xf32>
    %select_n3A_335 = arith.select %gt3A_332, %select_n3A_331, %select_n3A_284 : vector<32x128xi1>, vector<32x128xi32>
    %select_n3A_336 = arith.select %gt3A_332, %select_n3A_284, %select_n3A_331 : vector<32x128xi1>, vector<32x128xi32>
    %gt3A_337 = arith.cmpf ogt, %min3A_334, %max3A_287 : vector<32x128xf32>
    %max3A_338 = arith.maximumf %min3A_334, %max3A_287 : vector<32x128xf32>
    %min3A_339 = arith.minimumf %min3A_334, %max3A_287 : vector<32x128xf32>
    %select_n3A_340 = arith.select %gt3A_337, %select_n3A_336, %select_n3A_289 : vector<32x128xi1>, vector<32x128xi32>
    %select_n3A_341 = arith.select %gt3A_337, %select_n3A_289, %select_n3A_336 : vector<32x128xi1>, vector<32x128xi32>
    %gt3A_342 = arith.cmpf ogt, %min3A_339, %max3A_292 : vector<32x128xf32>
    %max3A_343 = arith.maximumf %min3A_339, %max3A_292 : vector<32x128xf32>
    %min3A_344 = arith.minimumf %min3A_339, %max3A_292 : vector<32x128xf32>
    %select_n3A_345 = arith.select %gt3A_342, %select_n3A_341, %select_n3A_294 : vector<32x128xi1>, vector<32x128xi32>
    %select_n3A_346 = arith.select %gt3A_342, %select_n3A_294, %select_n3A_341 : vector<32x128xi1>, vector<32x128xi32>
    %gt3A_347 = arith.cmpf ogt, %min3A_344, %max3A_297 : vector<32x128xf32>
    %max3A_348 = arith.maximumf %min3A_344, %max3A_297 : vector<32x128xf32>
    %min3A_349 = arith.minimumf %min3A_344, %max3A_297 : vector<32x128xf32>
    %select_n3A_350 = arith.select %gt3A_347, %select_n3A_346, %select_n3A_299 : vector<32x128xi1>, vector<32x128xi32>
    %select_n3A_351 = arith.select %gt3A_347, %select_n3A_299, %select_n3A_346 : vector<32x128xi1>, vector<32x128xi32>
    %gt3A_352 = arith.cmpf ogt, %min3A_349, %max3A_302 : vector<32x128xf32>
    %max3A_353 = arith.maximumf %min3A_349, %max3A_302 : vector<32x128xf32>
    %select_n3A_354 = arith.select %gt3A_352, %select_n3A_351, %select_n3A_303 : vector<32x128xi1>, vector<32x128xi32>
    %slice3A_355 = vector.extract_strided_slice %mul3A_9 {offsets = [0, 768], sizes = [32, 128], strides = [1, 1]} : vector<32x2944xf32> to vector<32x128xf32>
    %mul3A_356 = arith.constant 2944 : i32
    %mul3A_357 = arith.muli %arg0, %mul3A_356 : i32
    %add3A_358 = arith.constant 768 : i32
    %add3A_359 = arith.addi %mul3A_357, %add3A_358 : i32
    %add3A_360 = vector.broadcast %add3A_359 : i32 to vector<32x128xi32>
    %add3A_361 = arith.addi %iota3A, %add3A_360 : vector<32x128xi32>
    %lt3A_362 = arith.constant 100000 : i32
    %lt3A_363 = vector.broadcast %lt3A_362 : i32 to vector<32x128xi32>
    %lt3A_364 = arith.cmpi slt, %add3A_361, %lt3A_363 : vector<32x128xi32>
    %jit3A_365 = arith.constant -1.000000e+30 : f32
    %broadcast_in_dim3A_366 = vector.broadcast %jit3A_365 : f32 to vector<32x128xf32>
    %select_n3A_367 = arith.select %lt3A_364, %slice3A_355, %broadcast_in_dim3A_366 : vector<32x128xi1>, vector<32x128xf32>
    %gt3A_368 = arith.cmpf ogt, %select_n3A_367, %max3A_318 : vector<32x128xf32>
    %max3A_369 = arith.maximumf %select_n3A_367, %max3A_318 : vector<32x128xf32>
    %min3A_370 = arith.minimumf %select_n3A_367, %max3A_318 : vector<32x128xf32>
    %select_n3A_371 = arith.select %gt3A_368, %add3A_361, %select_n3A_320 : vector<32x128xi1>, vector<32x128xi32>
    %select_n3A_372 = arith.select %gt3A_368, %select_n3A_320, %add3A_361 : vector<32x128xi1>, vector<32x128xi32>
    %gt3A_373 = arith.cmpf ogt, %min3A_370, %max3A_323 : vector<32x128xf32>
    %max3A_374 = arith.maximumf %min3A_370, %max3A_323 : vector<32x128xf32>
    %min3A_375 = arith.minimumf %min3A_370, %max3A_323 : vector<32x128xf32>
    %select_n3A_376 = arith.select %gt3A_373, %select_n3A_372, %select_n3A_325 : vector<32x128xi1>, vector<32x128xi32>
    %select_n3A_377 = arith.select %gt3A_373, %select_n3A_325, %select_n3A_372 : vector<32x128xi1>, vector<32x128xi32>
    %gt3A_378 = arith.cmpf ogt, %min3A_375, %max3A_328 : vector<32x128xf32>
    %max3A_379 = arith.maximumf %min3A_375, %max3A_328 : vector<32x128xf32>
    %min3A_380 = arith.minimumf %min3A_375, %max3A_328 : vector<32x128xf32>
    %select_n3A_381 = arith.select %gt3A_378, %select_n3A_377, %select_n3A_330 : vector<32x128xi1>, vector<32x128xi32>
    %select_n3A_382 = arith.select %gt3A_378, %select_n3A_330, %select_n3A_377 : vector<32x128xi1>, vector<32x128xi32>
    %gt3A_383 = arith.cmpf ogt, %min3A_380, %max3A_333 : vector<32x128xf32>
    %max3A_384 = arith.maximumf %min3A_380, %max3A_333 : vector<32x128xf32>
    %min3A_385 = arith.minimumf %min3A_380, %max3A_333 : vector<32x128xf32>
    %select_n3A_386 = arith.select %gt3A_383, %select_n3A_382, %select_n3A_335 : vector<32x128xi1>, vector<32x128xi32>
    %select_n3A_387 = arith.select %gt3A_383, %select_n3A_335, %select_n3A_382 : vector<32x128xi1>, vector<32x128xi32>
    %gt3A_388 = arith.cmpf ogt, %min3A_385, %max3A_338 : vector<32x128xf32>
    %max3A_389 = arith.maximumf %min3A_385, %max3A_338 : vector<32x128xf32>
    %min3A_390 = arith.minimumf %min3A_385, %max3A_338 : vector<32x128xf32>
    %select_n3A_391 = arith.select %gt3A_388, %select_n3A_387, %select_n3A_340 : vector<32x128xi1>, vector<32x128xi32>
    %select_n3A_392 = arith.select %gt3A_388, %select_n3A_340, %select_n3A_387 : vector<32x128xi1>, vector<32x128xi32>
    %gt3A_393 = arith.cmpf ogt, %min3A_390, %max3A_343 : vector<32x128xf32>
    %max3A_394 = arith.maximumf %min3A_390, %max3A_343 : vector<32x128xf32>
    %min3A_395 = arith.minimumf %min3A_390, %max3A_343 : vector<32x128xf32>
    %select_n3A_396 = arith.select %gt3A_393, %select_n3A_392, %select_n3A_345 : vector<32x128xi1>, vector<32x128xi32>
    %select_n3A_397 = arith.select %gt3A_393, %select_n3A_345, %select_n3A_392 : vector<32x128xi1>, vector<32x128xi32>
    %gt3A_398 = arith.cmpf ogt, %min3A_395, %max3A_348 : vector<32x128xf32>
    %max3A_399 = arith.maximumf %min3A_395, %max3A_348 : vector<32x128xf32>
    %min3A_400 = arith.minimumf %min3A_395, %max3A_348 : vector<32x128xf32>
    %select_n3A_401 = arith.select %gt3A_398, %select_n3A_397, %select_n3A_350 : vector<32x128xi1>, vector<32x128xi32>
    %select_n3A_402 = arith.select %gt3A_398, %select_n3A_350, %select_n3A_397 : vector<32x128xi1>, vector<32x128xi32>
    %gt3A_403 = arith.cmpf ogt, %min3A_400, %max3A_353 : vector<32x128xf32>
    %max3A_404 = arith.maximumf %min3A_400, %max3A_353 : vector<32x128xf32>
    %select_n3A_405 = arith.select %gt3A_403, %select_n3A_402, %select_n3A_354 : vector<32x128xi1>, vector<32x128xi32>
    %slice3A_406 = vector.extract_strided_slice %mul3A_9 {offsets = [0, 896], sizes = [32, 128], strides = [1, 1]} : vector<32x2944xf32> to vector<32x128xf32>
    %mul3A_407 = arith.constant 2944 : i32
    %mul3A_408 = arith.muli %arg0, %mul3A_407 : i32
    %add3A_409 = arith.constant 896 : i32
    %add3A_410 = arith.addi %mul3A_408, %add3A_409 : i32
    %add3A_411 = vector.broadcast %add3A_410 : i32 to vector<32x128xi32>
    %add3A_412 = arith.addi %iota3A, %add3A_411 : vector<32x128xi32>
    %lt3A_413 = arith.constant 100000 : i32
    %lt3A_414 = vector.broadcast %lt3A_413 : i32 to vector<32x128xi32>
    %lt3A_415 = arith.cmpi slt, %add3A_412, %lt3A_414 : vector<32x128xi32>
    %jit3A_416 = arith.constant -1.000000e+30 : f32
    %broadcast_in_dim3A_417 = vector.broadcast %jit3A_416 : f32 to vector<32x128xf32>
    %select_n3A_418 = arith.select %lt3A_415, %slice3A_406, %broadcast_in_dim3A_417 : vector<32x128xi1>, vector<32x128xf32>
    %gt3A_419 = arith.cmpf ogt, %select_n3A_418, %max3A_369 : vector<32x128xf32>
    %max3A_420 = arith.maximumf %select_n3A_418, %max3A_369 : vector<32x128xf32>
    %min3A_421 = arith.minimumf %select_n3A_418, %max3A_369 : vector<32x128xf32>
    %select_n3A_422 = arith.select %gt3A_419, %add3A_412, %select_n3A_371 : vector<32x128xi1>, vector<32x128xi32>
    %select_n3A_423 = arith.select %gt3A_419, %select_n3A_371, %add3A_412 : vector<32x128xi1>, vector<32x128xi32>
    %gt3A_424 = arith.cmpf ogt, %min3A_421, %max3A_374 : vector<32x128xf32>
    %max3A_425 = arith.maximumf %min3A_421, %max3A_374 : vector<32x128xf32>
    %min3A_426 = arith.minimumf %min3A_421, %max3A_374 : vector<32x128xf32>
    %select_n3A_427 = arith.select %gt3A_424, %select_n3A_423, %select_n3A_376 : vector<32x128xi1>, vector<32x128xi32>
    %select_n3A_428 = arith.select %gt3A_424, %select_n3A_376, %select_n3A_423 : vector<32x128xi1>, vector<32x128xi32>
    %gt3A_429 = arith.cmpf ogt, %min3A_426, %max3A_379 : vector<32x128xf32>
    %max3A_430 = arith.maximumf %min3A_426, %max3A_379 : vector<32x128xf32>
    %min3A_431 = arith.minimumf %min3A_426, %max3A_379 : vector<32x128xf32>
    %select_n3A_432 = arith.select %gt3A_429, %select_n3A_428, %select_n3A_381 : vector<32x128xi1>, vector<32x128xi32>
    %select_n3A_433 = arith.select %gt3A_429, %select_n3A_381, %select_n3A_428 : vector<32x128xi1>, vector<32x128xi32>
    %gt3A_434 = arith.cmpf ogt, %min3A_431, %max3A_384 : vector<32x128xf32>
    %max3A_435 = arith.maximumf %min3A_431, %max3A_384 : vector<32x128xf32>
    %min3A_436 = arith.minimumf %min3A_431, %max3A_384 : vector<32x128xf32>
    %select_n3A_437 = arith.select %gt3A_434, %select_n3A_433, %select_n3A_386 : vector<32x128xi1>, vector<32x128xi32>
    %select_n3A_438 = arith.select %gt3A_434, %select_n3A_386, %select_n3A_433 : vector<32x128xi1>, vector<32x128xi32>
    %gt3A_439 = arith.cmpf ogt, %min3A_436, %max3A_389 : vector<32x128xf32>
    %max3A_440 = arith.maximumf %min3A_436, %max3A_389 : vector<32x128xf32>
    %min3A_441 = arith.minimumf %min3A_436, %max3A_389 : vector<32x128xf32>
    %select_n3A_442 = arith.select %gt3A_439, %select_n3A_438, %select_n3A_391 : vector<32x128xi1>, vector<32x128xi32>
    %select_n3A_443 = arith.select %gt3A_439, %select_n3A_391, %select_n3A_438 : vector<32x128xi1>, vector<32x128xi32>
    %gt3A_444 = arith.cmpf ogt, %min3A_441, %max3A_394 : vector<32x128xf32>
    %max3A_445 = arith.maximumf %min3A_441, %max3A_394 : vector<32x128xf32>
    %min3A_446 = arith.minimumf %min3A_441, %max3A_394 : vector<32x128xf32>
    %select_n3A_447 = arith.select %gt3A_444, %select_n3A_443, %select_n3A_396 : vector<32x128xi1>, vector<32x128xi32>
    %select_n3A_448 = arith.select %gt3A_444, %select_n3A_396, %select_n3A_443 : vector<32x128xi1>, vector<32x128xi32>
    %gt3A_449 = arith.cmpf ogt, %min3A_446, %max3A_399 : vector<32x128xf32>
    %max3A_450 = arith.maximumf %min3A_446, %max3A_399 : vector<32x128xf32>
    %min3A_451 = arith.minimumf %min3A_446, %max3A_399 : vector<32x128xf32>
    %select_n3A_452 = arith.select %gt3A_449, %select_n3A_448, %select_n3A_401 : vector<32x128xi1>, vector<32x128xi32>
    %select_n3A_453 = arith.select %gt3A_449, %select_n3A_401, %select_n3A_448 : vector<32x128xi1>, vector<32x128xi32>
    %gt3A_454 = arith.cmpf ogt, %min3A_451, %max3A_404 : vector<32x128xf32>
    %max3A_455 = arith.maximumf %min3A_451, %max3A_404 : vector<32x128xf32>
    %select_n3A_456 = arith.select %gt3A_454, %select_n3A_453, %select_n3A_405 : vector<32x128xi1>, vector<32x128xi32>
    %slice3A_457 = vector.extract_strided_slice %mul3A_9 {offsets = [0, 1024], sizes = [32, 128], strides = [1, 1]} : vector<32x2944xf32> to vector<32x128xf32>
    %mul3A_458 = arith.constant 2944 : i32
    %mul3A_459 = arith.muli %arg0, %mul3A_458 : i32
    %add3A_460 = arith.constant 1024 : i32
    %add3A_461 = arith.addi %mul3A_459, %add3A_460 : i32
    %add3A_462 = vector.broadcast %add3A_461 : i32 to vector<32x128xi32>
    %add3A_463 = arith.addi %iota3A, %add3A_462 : vector<32x128xi32>
    %lt3A_464 = arith.constant 100000 : i32
    %lt3A_465 = vector.broadcast %lt3A_464 : i32 to vector<32x128xi32>
    %lt3A_466 = arith.cmpi slt, %add3A_463, %lt3A_465 : vector<32x128xi32>
    %jit3A_467 = arith.constant -1.000000e+30 : f32
    %broadcast_in_dim3A_468 = vector.broadcast %jit3A_467 : f32 to vector<32x128xf32>
    %select_n3A_469 = arith.select %lt3A_466, %slice3A_457, %broadcast_in_dim3A_468 : vector<32x128xi1>, vector<32x128xf32>
    %gt3A_470 = arith.cmpf ogt, %select_n3A_469, %max3A_420 : vector<32x128xf32>
    %max3A_471 = arith.maximumf %select_n3A_469, %max3A_420 : vector<32x128xf32>
    %min3A_472 = arith.minimumf %select_n3A_469, %max3A_420 : vector<32x128xf32>
    %select_n3A_473 = arith.select %gt3A_470, %add3A_463, %select_n3A_422 : vector<32x128xi1>, vector<32x128xi32>
    %select_n3A_474 = arith.select %gt3A_470, %select_n3A_422, %add3A_463 : vector<32x128xi1>, vector<32x128xi32>
    %gt3A_475 = arith.cmpf ogt, %min3A_472, %max3A_425 : vector<32x128xf32>
    %max3A_476 = arith.maximumf %min3A_472, %max3A_425 : vector<32x128xf32>
    %min3A_477 = arith.minimumf %min3A_472, %max3A_425 : vector<32x128xf32>
    %select_n3A_478 = arith.select %gt3A_475, %select_n3A_474, %select_n3A_427 : vector<32x128xi1>, vector<32x128xi32>
    %select_n3A_479 = arith.select %gt3A_475, %select_n3A_427, %select_n3A_474 : vector<32x128xi1>, vector<32x128xi32>
    %gt3A_480 = arith.cmpf ogt, %min3A_477, %max3A_430 : vector<32x128xf32>
    %max3A_481 = arith.maximumf %min3A_477, %max3A_430 : vector<32x128xf32>
    %min3A_482 = arith.minimumf %min3A_477, %max3A_430 : vector<32x128xf32>
    %select_n3A_483 = arith.select %gt3A_480, %select_n3A_479, %select_n3A_432 : vector<32x128xi1>, vector<32x128xi32>
    %select_n3A_484 = arith.select %gt3A_480, %select_n3A_432, %select_n3A_479 : vector<32x128xi1>, vector<32x128xi32>
    %gt3A_485 = arith.cmpf ogt, %min3A_482, %max3A_435 : vector<32x128xf32>
    %max3A_486 = arith.maximumf %min3A_482, %max3A_435 : vector<32x128xf32>
    %min3A_487 = arith.minimumf %min3A_482, %max3A_435 : vector<32x128xf32>
    %select_n3A_488 = arith.select %gt3A_485, %select_n3A_484, %select_n3A_437 : vector<32x128xi1>, vector<32x128xi32>
    %select_n3A_489 = arith.select %gt3A_485, %select_n3A_437, %select_n3A_484 : vector<32x128xi1>, vector<32x128xi32>
    %gt3A_490 = arith.cmpf ogt, %min3A_487, %max3A_440 : vector<32x128xf32>
    %max3A_491 = arith.maximumf %min3A_487, %max3A_440 : vector<32x128xf32>
    %min3A_492 = arith.minimumf %min3A_487, %max3A_440 : vector<32x128xf32>
    %select_n3A_493 = arith.select %gt3A_490, %select_n3A_489, %select_n3A_442 : vector<32x128xi1>, vector<32x128xi32>
    %select_n3A_494 = arith.select %gt3A_490, %select_n3A_442, %select_n3A_489 : vector<32x128xi1>, vector<32x128xi32>
    %gt3A_495 = arith.cmpf ogt, %min3A_492, %max3A_445 : vector<32x128xf32>
    %max3A_496 = arith.maximumf %min3A_492, %max3A_445 : vector<32x128xf32>
    %min3A_497 = arith.minimumf %min3A_492, %max3A_445 : vector<32x128xf32>
    %select_n3A_498 = arith.select %gt3A_495, %select_n3A_494, %select_n3A_447 : vector<32x128xi1>, vector<32x128xi32>
    %select_n3A_499 = arith.select %gt3A_495, %select_n3A_447, %select_n3A_494 : vector<32x128xi1>, vector<32x128xi32>
    %gt3A_500 = arith.cmpf ogt, %min3A_497, %max3A_450 : vector<32x128xf32>
    %max3A_501 = arith.maximumf %min3A_497, %max3A_450 : vector<32x128xf32>
    %min3A_502 = arith.minimumf %min3A_497, %max3A_450 : vector<32x128xf32>
    %select_n3A_503 = arith.select %gt3A_500, %select_n3A_499, %select_n3A_452 : vector<32x128xi1>, vector<32x128xi32>
    %select_n3A_504 = arith.select %gt3A_500, %select_n3A_452, %select_n3A_499 : vector<32x128xi1>, vector<32x128xi32>
    %gt3A_505 = arith.cmpf ogt, %min3A_502, %max3A_455 : vector<32x128xf32>
    %max3A_506 = arith.maximumf %min3A_502, %max3A_455 : vector<32x128xf32>
    %select_n3A_507 = arith.select %gt3A_505, %select_n3A_504, %select_n3A_456 : vector<32x128xi1>, vector<32x128xi32>
    %slice3A_508 = vector.extract_strided_slice %mul3A_9 {offsets = [0, 1152], sizes = [32, 128], strides = [1, 1]} : vector<32x2944xf32> to vector<32x128xf32>
    %mul3A_509 = arith.constant 2944 : i32
    %mul3A_510 = arith.muli %arg0, %mul3A_509 : i32
    %add3A_511 = arith.constant 1152 : i32
    %add3A_512 = arith.addi %mul3A_510, %add3A_511 : i32
    %add3A_513 = vector.broadcast %add3A_512 : i32 to vector<32x128xi32>
    %add3A_514 = arith.addi %iota3A, %add3A_513 : vector<32x128xi32>
    %lt3A_515 = arith.constant 100000 : i32
    %lt3A_516 = vector.broadcast %lt3A_515 : i32 to vector<32x128xi32>
    %lt3A_517 = arith.cmpi slt, %add3A_514, %lt3A_516 : vector<32x128xi32>
    %jit3A_518 = arith.constant -1.000000e+30 : f32
    %broadcast_in_dim3A_519 = vector.broadcast %jit3A_518 : f32 to vector<32x128xf32>
    %select_n3A_520 = arith.select %lt3A_517, %slice3A_508, %broadcast_in_dim3A_519 : vector<32x128xi1>, vector<32x128xf32>
    %gt3A_521 = arith.cmpf ogt, %select_n3A_520, %max3A_471 : vector<32x128xf32>
    %max3A_522 = arith.maximumf %select_n3A_520, %max3A_471 : vector<32x128xf32>
    %min3A_523 = arith.minimumf %select_n3A_520, %max3A_471 : vector<32x128xf32>
    %select_n3A_524 = arith.select %gt3A_521, %add3A_514, %select_n3A_473 : vector<32x128xi1>, vector<32x128xi32>
    %select_n3A_525 = arith.select %gt3A_521, %select_n3A_473, %add3A_514 : vector<32x128xi1>, vector<32x128xi32>
    %gt3A_526 = arith.cmpf ogt, %min3A_523, %max3A_476 : vector<32x128xf32>
    %max3A_527 = arith.maximumf %min3A_523, %max3A_476 : vector<32x128xf32>
    %min3A_528 = arith.minimumf %min3A_523, %max3A_476 : vector<32x128xf32>
    %select_n3A_529 = arith.select %gt3A_526, %select_n3A_525, %select_n3A_478 : vector<32x128xi1>, vector<32x128xi32>
    %select_n3A_530 = arith.select %gt3A_526, %select_n3A_478, %select_n3A_525 : vector<32x128xi1>, vector<32x128xi32>
    %gt3A_531 = arith.cmpf ogt, %min3A_528, %max3A_481 : vector<32x128xf32>
    %max3A_532 = arith.maximumf %min3A_528, %max3A_481 : vector<32x128xf32>
    %min3A_533 = arith.minimumf %min3A_528, %max3A_481 : vector<32x128xf32>
    %select_n3A_534 = arith.select %gt3A_531, %select_n3A_530, %select_n3A_483 : vector<32x128xi1>, vector<32x128xi32>
    %select_n3A_535 = arith.select %gt3A_531, %select_n3A_483, %select_n3A_530 : vector<32x128xi1>, vector<32x128xi32>
    %gt3A_536 = arith.cmpf ogt, %min3A_533, %max3A_486 : vector<32x128xf32>
    %max3A_537 = arith.maximumf %min3A_533, %max3A_486 : vector<32x128xf32>
    %min3A_538 = arith.minimumf %min3A_533, %max3A_486 : vector<32x128xf32>
    %select_n3A_539 = arith.select %gt3A_536, %select_n3A_535, %select_n3A_488 : vector<32x128xi1>, vector<32x128xi32>
    %select_n3A_540 = arith.select %gt3A_536, %select_n3A_488, %select_n3A_535 : vector<32x128xi1>, vector<32x128xi32>
    %gt3A_541 = arith.cmpf ogt, %min3A_538, %max3A_491 : vector<32x128xf32>
    %max3A_542 = arith.maximumf %min3A_538, %max3A_491 : vector<32x128xf32>
    %min3A_543 = arith.minimumf %min3A_538, %max3A_491 : vector<32x128xf32>
    %select_n3A_544 = arith.select %gt3A_541, %select_n3A_540, %select_n3A_493 : vector<32x128xi1>, vector<32x128xi32>
    %select_n3A_545 = arith.select %gt3A_541, %select_n3A_493, %select_n3A_540 : vector<32x128xi1>, vector<32x128xi32>
    %gt3A_546 = arith.cmpf ogt, %min3A_543, %max3A_496 : vector<32x128xf32>
    %max3A_547 = arith.maximumf %min3A_543, %max3A_496 : vector<32x128xf32>
    %min3A_548 = arith.minimumf %min3A_543, %max3A_496 : vector<32x128xf32>
    %select_n3A_549 = arith.select %gt3A_546, %select_n3A_545, %select_n3A_498 : vector<32x128xi1>, vector<32x128xi32>
    %select_n3A_550 = arith.select %gt3A_546, %select_n3A_498, %select_n3A_545 : vector<32x128xi1>, vector<32x128xi32>
    %gt3A_551 = arith.cmpf ogt, %min3A_548, %max3A_501 : vector<32x128xf32>
    %max3A_552 = arith.maximumf %min3A_548, %max3A_501 : vector<32x128xf32>
    %min3A_553 = arith.minimumf %min3A_548, %max3A_501 : vector<32x128xf32>
    %select_n3A_554 = arith.select %gt3A_551, %select_n3A_550, %select_n3A_503 : vector<32x128xi1>, vector<32x128xi32>
    %select_n3A_555 = arith.select %gt3A_551, %select_n3A_503, %select_n3A_550 : vector<32x128xi1>, vector<32x128xi32>
    %gt3A_556 = arith.cmpf ogt, %min3A_553, %max3A_506 : vector<32x128xf32>
    %max3A_557 = arith.maximumf %min3A_553, %max3A_506 : vector<32x128xf32>
    %select_n3A_558 = arith.select %gt3A_556, %select_n3A_555, %select_n3A_507 : vector<32x128xi1>, vector<32x128xi32>
    %slice3A_559 = vector.extract_strided_slice %mul3A_9 {offsets = [0, 1280], sizes = [32, 128], strides = [1, 1]} : vector<32x2944xf32> to vector<32x128xf32>
    %mul3A_560 = arith.constant 2944 : i32
    %mul3A_561 = arith.muli %arg0, %mul3A_560 : i32
    %add3A_562 = arith.constant 1280 : i32
    %add3A_563 = arith.addi %mul3A_561, %add3A_562 : i32
    %add3A_564 = vector.broadcast %add3A_563 : i32 to vector<32x128xi32>
    %add3A_565 = arith.addi %iota3A, %add3A_564 : vector<32x128xi32>
    %lt3A_566 = arith.constant 100000 : i32
    %lt3A_567 = vector.broadcast %lt3A_566 : i32 to vector<32x128xi32>
    %lt3A_568 = arith.cmpi slt, %add3A_565, %lt3A_567 : vector<32x128xi32>
    %jit3A_569 = arith.constant -1.000000e+30 : f32
    %broadcast_in_dim3A_570 = vector.broadcast %jit3A_569 : f32 to vector<32x128xf32>
    %select_n3A_571 = arith.select %lt3A_568, %slice3A_559, %broadcast_in_dim3A_570 : vector<32x128xi1>, vector<32x128xf32>
    %gt3A_572 = arith.cmpf ogt, %select_n3A_571, %max3A_522 : vector<32x128xf32>
    %max3A_573 = arith.maximumf %select_n3A_571, %max3A_522 : vector<32x128xf32>
    %min3A_574 = arith.minimumf %select_n3A_571, %max3A_522 : vector<32x128xf32>
    %select_n3A_575 = arith.select %gt3A_572, %add3A_565, %select_n3A_524 : vector<32x128xi1>, vector<32x128xi32>
    %select_n3A_576 = arith.select %gt3A_572, %select_n3A_524, %add3A_565 : vector<32x128xi1>, vector<32x128xi32>
    %gt3A_577 = arith.cmpf ogt, %min3A_574, %max3A_527 : vector<32x128xf32>
    %max3A_578 = arith.maximumf %min3A_574, %max3A_527 : vector<32x128xf32>
    %min3A_579 = arith.minimumf %min3A_574, %max3A_527 : vector<32x128xf32>
    %select_n3A_580 = arith.select %gt3A_577, %select_n3A_576, %select_n3A_529 : vector<32x128xi1>, vector<32x128xi32>
    %select_n3A_581 = arith.select %gt3A_577, %select_n3A_529, %select_n3A_576 : vector<32x128xi1>, vector<32x128xi32>
    %gt3A_582 = arith.cmpf ogt, %min3A_579, %max3A_532 : vector<32x128xf32>
    %max3A_583 = arith.maximumf %min3A_579, %max3A_532 : vector<32x128xf32>
    %min3A_584 = arith.minimumf %min3A_579, %max3A_532 : vector<32x128xf32>
    %select_n3A_585 = arith.select %gt3A_582, %select_n3A_581, %select_n3A_534 : vector<32x128xi1>, vector<32x128xi32>
    %select_n3A_586 = arith.select %gt3A_582, %select_n3A_534, %select_n3A_581 : vector<32x128xi1>, vector<32x128xi32>
    %gt3A_587 = arith.cmpf ogt, %min3A_584, %max3A_537 : vector<32x128xf32>
    %max3A_588 = arith.maximumf %min3A_584, %max3A_537 : vector<32x128xf32>
    %min3A_589 = arith.minimumf %min3A_584, %max3A_537 : vector<32x128xf32>
    %select_n3A_590 = arith.select %gt3A_587, %select_n3A_586, %select_n3A_539 : vector<32x128xi1>, vector<32x128xi32>
    %select_n3A_591 = arith.select %gt3A_587, %select_n3A_539, %select_n3A_586 : vector<32x128xi1>, vector<32x128xi32>
    %gt3A_592 = arith.cmpf ogt, %min3A_589, %max3A_542 : vector<32x128xf32>
    %max3A_593 = arith.maximumf %min3A_589, %max3A_542 : vector<32x128xf32>
    %min3A_594 = arith.minimumf %min3A_589, %max3A_542 : vector<32x128xf32>
    %select_n3A_595 = arith.select %gt3A_592, %select_n3A_591, %select_n3A_544 : vector<32x128xi1>, vector<32x128xi32>
    %select_n3A_596 = arith.select %gt3A_592, %select_n3A_544, %select_n3A_591 : vector<32x128xi1>, vector<32x128xi32>
    %gt3A_597 = arith.cmpf ogt, %min3A_594, %max3A_547 : vector<32x128xf32>
    %max3A_598 = arith.maximumf %min3A_594, %max3A_547 : vector<32x128xf32>
    %min3A_599 = arith.minimumf %min3A_594, %max3A_547 : vector<32x128xf32>
    %select_n3A_600 = arith.select %gt3A_597, %select_n3A_596, %select_n3A_549 : vector<32x128xi1>, vector<32x128xi32>
    %select_n3A_601 = arith.select %gt3A_597, %select_n3A_549, %select_n3A_596 : vector<32x128xi1>, vector<32x128xi32>
    %gt3A_602 = arith.cmpf ogt, %min3A_599, %max3A_552 : vector<32x128xf32>
    %max3A_603 = arith.maximumf %min3A_599, %max3A_552 : vector<32x128xf32>
    %min3A_604 = arith.minimumf %min3A_599, %max3A_552 : vector<32x128xf32>
    %select_n3A_605 = arith.select %gt3A_602, %select_n3A_601, %select_n3A_554 : vector<32x128xi1>, vector<32x128xi32>
    %select_n3A_606 = arith.select %gt3A_602, %select_n3A_554, %select_n3A_601 : vector<32x128xi1>, vector<32x128xi32>
    %gt3A_607 = arith.cmpf ogt, %min3A_604, %max3A_557 : vector<32x128xf32>
    %max3A_608 = arith.maximumf %min3A_604, %max3A_557 : vector<32x128xf32>
    %select_n3A_609 = arith.select %gt3A_607, %select_n3A_606, %select_n3A_558 : vector<32x128xi1>, vector<32x128xi32>
    %slice3A_610 = vector.extract_strided_slice %mul3A_9 {offsets = [0, 1408], sizes = [32, 128], strides = [1, 1]} : vector<32x2944xf32> to vector<32x128xf32>
    %mul3A_611 = arith.constant 2944 : i32
    %mul3A_612 = arith.muli %arg0, %mul3A_611 : i32
    %add3A_613 = arith.constant 1408 : i32
    %add3A_614 = arith.addi %mul3A_612, %add3A_613 : i32
    %add3A_615 = vector.broadcast %add3A_614 : i32 to vector<32x128xi32>
    %add3A_616 = arith.addi %iota3A, %add3A_615 : vector<32x128xi32>
    %lt3A_617 = arith.constant 100000 : i32
    %lt3A_618 = vector.broadcast %lt3A_617 : i32 to vector<32x128xi32>
    %lt3A_619 = arith.cmpi slt, %add3A_616, %lt3A_618 : vector<32x128xi32>
    %jit3A_620 = arith.constant -1.000000e+30 : f32
    %broadcast_in_dim3A_621 = vector.broadcast %jit3A_620 : f32 to vector<32x128xf32>
    %select_n3A_622 = arith.select %lt3A_619, %slice3A_610, %broadcast_in_dim3A_621 : vector<32x128xi1>, vector<32x128xf32>
    %gt3A_623 = arith.cmpf ogt, %select_n3A_622, %max3A_573 : vector<32x128xf32>
    %max3A_624 = arith.maximumf %select_n3A_622, %max3A_573 : vector<32x128xf32>
    %min3A_625 = arith.minimumf %select_n3A_622, %max3A_573 : vector<32x128xf32>
    %select_n3A_626 = arith.select %gt3A_623, %add3A_616, %select_n3A_575 : vector<32x128xi1>, vector<32x128xi32>
    %select_n3A_627 = arith.select %gt3A_623, %select_n3A_575, %add3A_616 : vector<32x128xi1>, vector<32x128xi32>
    %gt3A_628 = arith.cmpf ogt, %min3A_625, %max3A_578 : vector<32x128xf32>
    %max3A_629 = arith.maximumf %min3A_625, %max3A_578 : vector<32x128xf32>
    %min3A_630 = arith.minimumf %min3A_625, %max3A_578 : vector<32x128xf32>
    %select_n3A_631 = arith.select %gt3A_628, %select_n3A_627, %select_n3A_580 : vector<32x128xi1>, vector<32x128xi32>
    %select_n3A_632 = arith.select %gt3A_628, %select_n3A_580, %select_n3A_627 : vector<32x128xi1>, vector<32x128xi32>
    %gt3A_633 = arith.cmpf ogt, %min3A_630, %max3A_583 : vector<32x128xf32>
    %max3A_634 = arith.maximumf %min3A_630, %max3A_583 : vector<32x128xf32>
    %min3A_635 = arith.minimumf %min3A_630, %max3A_583 : vector<32x128xf32>
    %select_n3A_636 = arith.select %gt3A_633, %select_n3A_632, %select_n3A_585 : vector<32x128xi1>, vector<32x128xi32>
    %select_n3A_637 = arith.select %gt3A_633, %select_n3A_585, %select_n3A_632 : vector<32x128xi1>, vector<32x128xi32>
    %gt3A_638 = arith.cmpf ogt, %min3A_635, %max3A_588 : vector<32x128xf32>
    %max3A_639 = arith.maximumf %min3A_635, %max3A_588 : vector<32x128xf32>
    %min3A_640 = arith.minimumf %min3A_635, %max3A_588 : vector<32x128xf32>
    %select_n3A_641 = arith.select %gt3A_638, %select_n3A_637, %select_n3A_590 : vector<32x128xi1>, vector<32x128xi32>
    %select_n3A_642 = arith.select %gt3A_638, %select_n3A_590, %select_n3A_637 : vector<32x128xi1>, vector<32x128xi32>
    %gt3A_643 = arith.cmpf ogt, %min3A_640, %max3A_593 : vector<32x128xf32>
    %max3A_644 = arith.maximumf %min3A_640, %max3A_593 : vector<32x128xf32>
    %min3A_645 = arith.minimumf %min3A_640, %max3A_593 : vector<32x128xf32>
    %select_n3A_646 = arith.select %gt3A_643, %select_n3A_642, %select_n3A_595 : vector<32x128xi1>, vector<32x128xi32>
    %select_n3A_647 = arith.select %gt3A_643, %select_n3A_595, %select_n3A_642 : vector<32x128xi1>, vector<32x128xi32>
    %gt3A_648 = arith.cmpf ogt, %min3A_645, %max3A_598 : vector<32x128xf32>
    %max3A_649 = arith.maximumf %min3A_645, %max3A_598 : vector<32x128xf32>
    %min3A_650 = arith.minimumf %min3A_645, %max3A_598 : vector<32x128xf32>
    %select_n3A_651 = arith.select %gt3A_648, %select_n3A_647, %select_n3A_600 : vector<32x128xi1>, vector<32x128xi32>
    %select_n3A_652 = arith.select %gt3A_648, %select_n3A_600, %select_n3A_647 : vector<32x128xi1>, vector<32x128xi32>
    %gt3A_653 = arith.cmpf ogt, %min3A_650, %max3A_603 : vector<32x128xf32>
    %max3A_654 = arith.maximumf %min3A_650, %max3A_603 : vector<32x128xf32>
    %min3A_655 = arith.minimumf %min3A_650, %max3A_603 : vector<32x128xf32>
    %select_n3A_656 = arith.select %gt3A_653, %select_n3A_652, %select_n3A_605 : vector<32x128xi1>, vector<32x128xi32>
    %select_n3A_657 = arith.select %gt3A_653, %select_n3A_605, %select_n3A_652 : vector<32x128xi1>, vector<32x128xi32>
    %gt3A_658 = arith.cmpf ogt, %min3A_655, %max3A_608 : vector<32x128xf32>
    %max3A_659 = arith.maximumf %min3A_655, %max3A_608 : vector<32x128xf32>
    %select_n3A_660 = arith.select %gt3A_658, %select_n3A_657, %select_n3A_609 : vector<32x128xi1>, vector<32x128xi32>
    %slice3A_661 = vector.extract_strided_slice %mul3A_9 {offsets = [0, 1536], sizes = [32, 128], strides = [1, 1]} : vector<32x2944xf32> to vector<32x128xf32>
    %mul3A_662 = arith.constant 2944 : i32
    %mul3A_663 = arith.muli %arg0, %mul3A_662 : i32
    %add3A_664 = arith.constant 1536 : i32
    %add3A_665 = arith.addi %mul3A_663, %add3A_664 : i32
    %add3A_666 = vector.broadcast %add3A_665 : i32 to vector<32x128xi32>
    %add3A_667 = arith.addi %iota3A, %add3A_666 : vector<32x128xi32>
    %lt3A_668 = arith.constant 100000 : i32
    %lt3A_669 = vector.broadcast %lt3A_668 : i32 to vector<32x128xi32>
    %lt3A_670 = arith.cmpi slt, %add3A_667, %lt3A_669 : vector<32x128xi32>
    %jit3A_671 = arith.constant -1.000000e+30 : f32
    %broadcast_in_dim3A_672 = vector.broadcast %jit3A_671 : f32 to vector<32x128xf32>
    %select_n3A_673 = arith.select %lt3A_670, %slice3A_661, %broadcast_in_dim3A_672 : vector<32x128xi1>, vector<32x128xf32>
    %gt3A_674 = arith.cmpf ogt, %select_n3A_673, %max3A_624 : vector<32x128xf32>
    %max3A_675 = arith.maximumf %select_n3A_673, %max3A_624 : vector<32x128xf32>
    %min3A_676 = arith.minimumf %select_n3A_673, %max3A_624 : vector<32x128xf32>
    %select_n3A_677 = arith.select %gt3A_674, %add3A_667, %select_n3A_626 : vector<32x128xi1>, vector<32x128xi32>
    %select_n3A_678 = arith.select %gt3A_674, %select_n3A_626, %add3A_667 : vector<32x128xi1>, vector<32x128xi32>
    %gt3A_679 = arith.cmpf ogt, %min3A_676, %max3A_629 : vector<32x128xf32>
    %max3A_680 = arith.maximumf %min3A_676, %max3A_629 : vector<32x128xf32>
    %min3A_681 = arith.minimumf %min3A_676, %max3A_629 : vector<32x128xf32>
    %select_n3A_682 = arith.select %gt3A_679, %select_n3A_678, %select_n3A_631 : vector<32x128xi1>, vector<32x128xi32>
    %select_n3A_683 = arith.select %gt3A_679, %select_n3A_631, %select_n3A_678 : vector<32x128xi1>, vector<32x128xi32>
    %gt3A_684 = arith.cmpf ogt, %min3A_681, %max3A_634 : vector<32x128xf32>
    %max3A_685 = arith.maximumf %min3A_681, %max3A_634 : vector<32x128xf32>
    %min3A_686 = arith.minimumf %min3A_681, %max3A_634 : vector<32x128xf32>
    %select_n3A_687 = arith.select %gt3A_684, %select_n3A_683, %select_n3A_636 : vector<32x128xi1>, vector<32x128xi32>
    %select_n3A_688 = arith.select %gt3A_684, %select_n3A_636, %select_n3A_683 : vector<32x128xi1>, vector<32x128xi32>
    %gt3A_689 = arith.cmpf ogt, %min3A_686, %max3A_639 : vector<32x128xf32>
    %max3A_690 = arith.maximumf %min3A_686, %max3A_639 : vector<32x128xf32>
    %min3A_691 = arith.minimumf %min3A_686, %max3A_639 : vector<32x128xf32>
    %select_n3A_692 = arith.select %gt3A_689, %select_n3A_688, %select_n3A_641 : vector<32x128xi1>, vector<32x128xi32>
    %select_n3A_693 = arith.select %gt3A_689, %select_n3A_641, %select_n3A_688 : vector<32x128xi1>, vector<32x128xi32>
    %gt3A_694 = arith.cmpf ogt, %min3A_691, %max3A_644 : vector<32x128xf32>
    %max3A_695 = arith.maximumf %min3A_691, %max3A_644 : vector<32x128xf32>
    %min3A_696 = arith.minimumf %min3A_691, %max3A_644 : vector<32x128xf32>
    %select_n3A_697 = arith.select %gt3A_694, %select_n3A_693, %select_n3A_646 : vector<32x128xi1>, vector<32x128xi32>
    %select_n3A_698 = arith.select %gt3A_694, %select_n3A_646, %select_n3A_693 : vector<32x128xi1>, vector<32x128xi32>
    %gt3A_699 = arith.cmpf ogt, %min3A_696, %max3A_649 : vector<32x128xf32>
    %max3A_700 = arith.maximumf %min3A_696, %max3A_649 : vector<32x128xf32>
    %min3A_701 = arith.minimumf %min3A_696, %max3A_649 : vector<32x128xf32>
    %select_n3A_702 = arith.select %gt3A_699, %select_n3A_698, %select_n3A_651 : vector<32x128xi1>, vector<32x128xi32>
    %select_n3A_703 = arith.select %gt3A_699, %select_n3A_651, %select_n3A_698 : vector<32x128xi1>, vector<32x128xi32>
    %gt3A_704 = arith.cmpf ogt, %min3A_701, %max3A_654 : vector<32x128xf32>
    %max3A_705 = arith.maximumf %min3A_701, %max3A_654 : vector<32x128xf32>
    %min3A_706 = arith.minimumf %min3A_701, %max3A_654 : vector<32x128xf32>
    %select_n3A_707 = arith.select %gt3A_704, %select_n3A_703, %select_n3A_656 : vector<32x128xi1>, vector<32x128xi32>
    %select_n3A_708 = arith.select %gt3A_704, %select_n3A_656, %select_n3A_703 : vector<32x128xi1>, vector<32x128xi32>
    %gt3A_709 = arith.cmpf ogt, %min3A_706, %max3A_659 : vector<32x128xf32>
    %max3A_710 = arith.maximumf %min3A_706, %max3A_659 : vector<32x128xf32>
    %select_n3A_711 = arith.select %gt3A_709, %select_n3A_708, %select_n3A_660 : vector<32x128xi1>, vector<32x128xi32>
    %slice3A_712 = vector.extract_strided_slice %mul3A_9 {offsets = [0, 1664], sizes = [32, 128], strides = [1, 1]} : vector<32x2944xf32> to vector<32x128xf32>
    %mul3A_713 = arith.constant 2944 : i32
    %mul3A_714 = arith.muli %arg0, %mul3A_713 : i32
    %add3A_715 = arith.constant 1664 : i32
    %add3A_716 = arith.addi %mul3A_714, %add3A_715 : i32
    %add3A_717 = vector.broadcast %add3A_716 : i32 to vector<32x128xi32>
    %add3A_718 = arith.addi %iota3A, %add3A_717 : vector<32x128xi32>
    %lt3A_719 = arith.constant 100000 : i32
    %lt3A_720 = vector.broadcast %lt3A_719 : i32 to vector<32x128xi32>
    %lt3A_721 = arith.cmpi slt, %add3A_718, %lt3A_720 : vector<32x128xi32>
    %jit3A_722 = arith.constant -1.000000e+30 : f32
    %broadcast_in_dim3A_723 = vector.broadcast %jit3A_722 : f32 to vector<32x128xf32>
    %select_n3A_724 = arith.select %lt3A_721, %slice3A_712, %broadcast_in_dim3A_723 : vector<32x128xi1>, vector<32x128xf32>
    %gt3A_725 = arith.cmpf ogt, %select_n3A_724, %max3A_675 : vector<32x128xf32>
    %max3A_726 = arith.maximumf %select_n3A_724, %max3A_675 : vector<32x128xf32>
    %min3A_727 = arith.minimumf %select_n3A_724, %max3A_675 : vector<32x128xf32>
    %select_n3A_728 = arith.select %gt3A_725, %add3A_718, %select_n3A_677 : vector<32x128xi1>, vector<32x128xi32>
    %select_n3A_729 = arith.select %gt3A_725, %select_n3A_677, %add3A_718 : vector<32x128xi1>, vector<32x128xi32>
    %gt3A_730 = arith.cmpf ogt, %min3A_727, %max3A_680 : vector<32x128xf32>
    %max3A_731 = arith.maximumf %min3A_727, %max3A_680 : vector<32x128xf32>
    %min3A_732 = arith.minimumf %min3A_727, %max3A_680 : vector<32x128xf32>
    %select_n3A_733 = arith.select %gt3A_730, %select_n3A_729, %select_n3A_682 : vector<32x128xi1>, vector<32x128xi32>
    %select_n3A_734 = arith.select %gt3A_730, %select_n3A_682, %select_n3A_729 : vector<32x128xi1>, vector<32x128xi32>
    %gt3A_735 = arith.cmpf ogt, %min3A_732, %max3A_685 : vector<32x128xf32>
    %max3A_736 = arith.maximumf %min3A_732, %max3A_685 : vector<32x128xf32>
    %min3A_737 = arith.minimumf %min3A_732, %max3A_685 : vector<32x128xf32>
    %select_n3A_738 = arith.select %gt3A_735, %select_n3A_734, %select_n3A_687 : vector<32x128xi1>, vector<32x128xi32>
    %select_n3A_739 = arith.select %gt3A_735, %select_n3A_687, %select_n3A_734 : vector<32x128xi1>, vector<32x128xi32>
    %gt3A_740 = arith.cmpf ogt, %min3A_737, %max3A_690 : vector<32x128xf32>
    %max3A_741 = arith.maximumf %min3A_737, %max3A_690 : vector<32x128xf32>
    %min3A_742 = arith.minimumf %min3A_737, %max3A_690 : vector<32x128xf32>
    %select_n3A_743 = arith.select %gt3A_740, %select_n3A_739, %select_n3A_692 : vector<32x128xi1>, vector<32x128xi32>
    %select_n3A_744 = arith.select %gt3A_740, %select_n3A_692, %select_n3A_739 : vector<32x128xi1>, vector<32x128xi32>
    %gt3A_745 = arith.cmpf ogt, %min3A_742, %max3A_695 : vector<32x128xf32>
    %max3A_746 = arith.maximumf %min3A_742, %max3A_695 : vector<32x128xf32>
    %min3A_747 = arith.minimumf %min3A_742, %max3A_695 : vector<32x128xf32>
    %select_n3A_748 = arith.select %gt3A_745, %select_n3A_744, %select_n3A_697 : vector<32x128xi1>, vector<32x128xi32>
    %select_n3A_749 = arith.select %gt3A_745, %select_n3A_697, %select_n3A_744 : vector<32x128xi1>, vector<32x128xi32>
    %gt3A_750 = arith.cmpf ogt, %min3A_747, %max3A_700 : vector<32x128xf32>
    %max3A_751 = arith.maximumf %min3A_747, %max3A_700 : vector<32x128xf32>
    %min3A_752 = arith.minimumf %min3A_747, %max3A_700 : vector<32x128xf32>
    %select_n3A_753 = arith.select %gt3A_750, %select_n3A_749, %select_n3A_702 : vector<32x128xi1>, vector<32x128xi32>
    %select_n3A_754 = arith.select %gt3A_750, %select_n3A_702, %select_n3A_749 : vector<32x128xi1>, vector<32x128xi32>
    %gt3A_755 = arith.cmpf ogt, %min3A_752, %max3A_705 : vector<32x128xf32>
    %max3A_756 = arith.maximumf %min3A_752, %max3A_705 : vector<32x128xf32>
    %min3A_757 = arith.minimumf %min3A_752, %max3A_705 : vector<32x128xf32>
    %select_n3A_758 = arith.select %gt3A_755, %select_n3A_754, %select_n3A_707 : vector<32x128xi1>, vector<32x128xi32>
    %select_n3A_759 = arith.select %gt3A_755, %select_n3A_707, %select_n3A_754 : vector<32x128xi1>, vector<32x128xi32>
    %gt3A_760 = arith.cmpf ogt, %min3A_757, %max3A_710 : vector<32x128xf32>
    %max3A_761 = arith.maximumf %min3A_757, %max3A_710 : vector<32x128xf32>
    %select_n3A_762 = arith.select %gt3A_760, %select_n3A_759, %select_n3A_711 : vector<32x128xi1>, vector<32x128xi32>
    %slice3A_763 = vector.extract_strided_slice %mul3A_9 {offsets = [0, 1792], sizes = [32, 128], strides = [1, 1]} : vector<32x2944xf32> to vector<32x128xf32>
    %mul3A_764 = arith.constant 2944 : i32
    %mul3A_765 = arith.muli %arg0, %mul3A_764 : i32
    %add3A_766 = arith.constant 1792 : i32
    %add3A_767 = arith.addi %mul3A_765, %add3A_766 : i32
    %add3A_768 = vector.broadcast %add3A_767 : i32 to vector<32x128xi32>
    %add3A_769 = arith.addi %iota3A, %add3A_768 : vector<32x128xi32>
    %lt3A_770 = arith.constant 100000 : i32
    %lt3A_771 = vector.broadcast %lt3A_770 : i32 to vector<32x128xi32>
    %lt3A_772 = arith.cmpi slt, %add3A_769, %lt3A_771 : vector<32x128xi32>
    %jit3A_773 = arith.constant -1.000000e+30 : f32
    %broadcast_in_dim3A_774 = vector.broadcast %jit3A_773 : f32 to vector<32x128xf32>
    %select_n3A_775 = arith.select %lt3A_772, %slice3A_763, %broadcast_in_dim3A_774 : vector<32x128xi1>, vector<32x128xf32>
    %gt3A_776 = arith.cmpf ogt, %select_n3A_775, %max3A_726 : vector<32x128xf32>
    %max3A_777 = arith.maximumf %select_n3A_775, %max3A_726 : vector<32x128xf32>
    %min3A_778 = arith.minimumf %select_n3A_775, %max3A_726 : vector<32x128xf32>
    %select_n3A_779 = arith.select %gt3A_776, %add3A_769, %select_n3A_728 : vector<32x128xi1>, vector<32x128xi32>
    %select_n3A_780 = arith.select %gt3A_776, %select_n3A_728, %add3A_769 : vector<32x128xi1>, vector<32x128xi32>
    %gt3A_781 = arith.cmpf ogt, %min3A_778, %max3A_731 : vector<32x128xf32>
    %max3A_782 = arith.maximumf %min3A_778, %max3A_731 : vector<32x128xf32>
    %min3A_783 = arith.minimumf %min3A_778, %max3A_731 : vector<32x128xf32>
    %select_n3A_784 = arith.select %gt3A_781, %select_n3A_780, %select_n3A_733 : vector<32x128xi1>, vector<32x128xi32>
    %select_n3A_785 = arith.select %gt3A_781, %select_n3A_733, %select_n3A_780 : vector<32x128xi1>, vector<32x128xi32>
    %gt3A_786 = arith.cmpf ogt, %min3A_783, %max3A_736 : vector<32x128xf32>
    %max3A_787 = arith.maximumf %min3A_783, %max3A_736 : vector<32x128xf32>
    %min3A_788 = arith.minimumf %min3A_783, %max3A_736 : vector<32x128xf32>
    %select_n3A_789 = arith.select %gt3A_786, %select_n3A_785, %select_n3A_738 : vector<32x128xi1>, vector<32x128xi32>
    %select_n3A_790 = arith.select %gt3A_786, %select_n3A_738, %select_n3A_785 : vector<32x128xi1>, vector<32x128xi32>
    %gt3A_791 = arith.cmpf ogt, %min3A_788, %max3A_741 : vector<32x128xf32>
    %max3A_792 = arith.maximumf %min3A_788, %max3A_741 : vector<32x128xf32>
    %min3A_793 = arith.minimumf %min3A_788, %max3A_741 : vector<32x128xf32>
    %select_n3A_794 = arith.select %gt3A_791, %select_n3A_790, %select_n3A_743 : vector<32x128xi1>, vector<32x128xi32>
    %select_n3A_795 = arith.select %gt3A_791, %select_n3A_743, %select_n3A_790 : vector<32x128xi1>, vector<32x128xi32>
    %gt3A_796 = arith.cmpf ogt, %min3A_793, %max3A_746 : vector<32x128xf32>
    %max3A_797 = arith.maximumf %min3A_793, %max3A_746 : vector<32x128xf32>
    %min3A_798 = arith.minimumf %min3A_793, %max3A_746 : vector<32x128xf32>
    %select_n3A_799 = arith.select %gt3A_796, %select_n3A_795, %select_n3A_748 : vector<32x128xi1>, vector<32x128xi32>
    %select_n3A_800 = arith.select %gt3A_796, %select_n3A_748, %select_n3A_795 : vector<32x128xi1>, vector<32x128xi32>
    %gt3A_801 = arith.cmpf ogt, %min3A_798, %max3A_751 : vector<32x128xf32>
    %max3A_802 = arith.maximumf %min3A_798, %max3A_751 : vector<32x128xf32>
    %min3A_803 = arith.minimumf %min3A_798, %max3A_751 : vector<32x128xf32>
    %select_n3A_804 = arith.select %gt3A_801, %select_n3A_800, %select_n3A_753 : vector<32x128xi1>, vector<32x128xi32>
    %select_n3A_805 = arith.select %gt3A_801, %select_n3A_753, %select_n3A_800 : vector<32x128xi1>, vector<32x128xi32>
    %gt3A_806 = arith.cmpf ogt, %min3A_803, %max3A_756 : vector<32x128xf32>
    %max3A_807 = arith.maximumf %min3A_803, %max3A_756 : vector<32x128xf32>
    %min3A_808 = arith.minimumf %min3A_803, %max3A_756 : vector<32x128xf32>
    %select_n3A_809 = arith.select %gt3A_806, %select_n3A_805, %select_n3A_758 : vector<32x128xi1>, vector<32x128xi32>
    %select_n3A_810 = arith.select %gt3A_806, %select_n3A_758, %select_n3A_805 : vector<32x128xi1>, vector<32x128xi32>
    %gt3A_811 = arith.cmpf ogt, %min3A_808, %max3A_761 : vector<32x128xf32>
    %max3A_812 = arith.maximumf %min3A_808, %max3A_761 : vector<32x128xf32>
    %select_n3A_813 = arith.select %gt3A_811, %select_n3A_810, %select_n3A_762 : vector<32x128xi1>, vector<32x128xi32>
    %slice3A_814 = vector.extract_strided_slice %mul3A_9 {offsets = [0, 1920], sizes = [32, 128], strides = [1, 1]} : vector<32x2944xf32> to vector<32x128xf32>
    %mul3A_815 = arith.constant 2944 : i32
    %mul3A_816 = arith.muli %arg0, %mul3A_815 : i32
    %add3A_817 = arith.constant 1920 : i32
    %add3A_818 = arith.addi %mul3A_816, %add3A_817 : i32
    %add3A_819 = vector.broadcast %add3A_818 : i32 to vector<32x128xi32>
    %add3A_820 = arith.addi %iota3A, %add3A_819 : vector<32x128xi32>
    %lt3A_821 = arith.constant 100000 : i32
    %lt3A_822 = vector.broadcast %lt3A_821 : i32 to vector<32x128xi32>
    %lt3A_823 = arith.cmpi slt, %add3A_820, %lt3A_822 : vector<32x128xi32>
    %jit3A_824 = arith.constant -1.000000e+30 : f32
    %broadcast_in_dim3A_825 = vector.broadcast %jit3A_824 : f32 to vector<32x128xf32>
    %select_n3A_826 = arith.select %lt3A_823, %slice3A_814, %broadcast_in_dim3A_825 : vector<32x128xi1>, vector<32x128xf32>
    %gt3A_827 = arith.cmpf ogt, %select_n3A_826, %max3A_777 : vector<32x128xf32>
    %max3A_828 = arith.maximumf %select_n3A_826, %max3A_777 : vector<32x128xf32>
    %min3A_829 = arith.minimumf %select_n3A_826, %max3A_777 : vector<32x128xf32>
    %select_n3A_830 = arith.select %gt3A_827, %add3A_820, %select_n3A_779 : vector<32x128xi1>, vector<32x128xi32>
    %select_n3A_831 = arith.select %gt3A_827, %select_n3A_779, %add3A_820 : vector<32x128xi1>, vector<32x128xi32>
    %gt3A_832 = arith.cmpf ogt, %min3A_829, %max3A_782 : vector<32x128xf32>
    %max3A_833 = arith.maximumf %min3A_829, %max3A_782 : vector<32x128xf32>
    %min3A_834 = arith.minimumf %min3A_829, %max3A_782 : vector<32x128xf32>
    %select_n3A_835 = arith.select %gt3A_832, %select_n3A_831, %select_n3A_784 : vector<32x128xi1>, vector<32x128xi32>
    %select_n3A_836 = arith.select %gt3A_832, %select_n3A_784, %select_n3A_831 : vector<32x128xi1>, vector<32x128xi32>
    %gt3A_837 = arith.cmpf ogt, %min3A_834, %max3A_787 : vector<32x128xf32>
    %max3A_838 = arith.maximumf %min3A_834, %max3A_787 : vector<32x128xf32>
    %min3A_839 = arith.minimumf %min3A_834, %max3A_787 : vector<32x128xf32>
    %select_n3A_840 = arith.select %gt3A_837, %select_n3A_836, %select_n3A_789 : vector<32x128xi1>, vector<32x128xi32>
    %select_n3A_841 = arith.select %gt3A_837, %select_n3A_789, %select_n3A_836 : vector<32x128xi1>, vector<32x128xi32>
    %gt3A_842 = arith.cmpf ogt, %min3A_839, %max3A_792 : vector<32x128xf32>
    %max3A_843 = arith.maximumf %min3A_839, %max3A_792 : vector<32x128xf32>
    %min3A_844 = arith.minimumf %min3A_839, %max3A_792 : vector<32x128xf32>
    %select_n3A_845 = arith.select %gt3A_842, %select_n3A_841, %select_n3A_794 : vector<32x128xi1>, vector<32x128xi32>
    %select_n3A_846 = arith.select %gt3A_842, %select_n3A_794, %select_n3A_841 : vector<32x128xi1>, vector<32x128xi32>
    %gt3A_847 = arith.cmpf ogt, %min3A_844, %max3A_797 : vector<32x128xf32>
    %max3A_848 = arith.maximumf %min3A_844, %max3A_797 : vector<32x128xf32>
    %min3A_849 = arith.minimumf %min3A_844, %max3A_797 : vector<32x128xf32>
    %select_n3A_850 = arith.select %gt3A_847, %select_n3A_846, %select_n3A_799 : vector<32x128xi1>, vector<32x128xi32>
    %select_n3A_851 = arith.select %gt3A_847, %select_n3A_799, %select_n3A_846 : vector<32x128xi1>, vector<32x128xi32>
    %gt3A_852 = arith.cmpf ogt, %min3A_849, %max3A_802 : vector<32x128xf32>
    %max3A_853 = arith.maximumf %min3A_849, %max3A_802 : vector<32x128xf32>
    %min3A_854 = arith.minimumf %min3A_849, %max3A_802 : vector<32x128xf32>
    %select_n3A_855 = arith.select %gt3A_852, %select_n3A_851, %select_n3A_804 : vector<32x128xi1>, vector<32x128xi32>
    %select_n3A_856 = arith.select %gt3A_852, %select_n3A_804, %select_n3A_851 : vector<32x128xi1>, vector<32x128xi32>
    %gt3A_857 = arith.cmpf ogt, %min3A_854, %max3A_807 : vector<32x128xf32>
    %max3A_858 = arith.maximumf %min3A_854, %max3A_807 : vector<32x128xf32>
    %min3A_859 = arith.minimumf %min3A_854, %max3A_807 : vector<32x128xf32>
    %select_n3A_860 = arith.select %gt3A_857, %select_n3A_856, %select_n3A_809 : vector<32x128xi1>, vector<32x128xi32>
    %select_n3A_861 = arith.select %gt3A_857, %select_n3A_809, %select_n3A_856 : vector<32x128xi1>, vector<32x128xi32>
    %gt3A_862 = arith.cmpf ogt, %min3A_859, %max3A_812 : vector<32x128xf32>
    %max3A_863 = arith.maximumf %min3A_859, %max3A_812 : vector<32x128xf32>
    %select_n3A_864 = arith.select %gt3A_862, %select_n3A_861, %select_n3A_813 : vector<32x128xi1>, vector<32x128xi32>
    %slice3A_865 = vector.extract_strided_slice %mul3A_9 {offsets = [0, 2048], sizes = [32, 128], strides = [1, 1]} : vector<32x2944xf32> to vector<32x128xf32>
    %mul3A_866 = arith.constant 2944 : i32
    %mul3A_867 = arith.muli %arg0, %mul3A_866 : i32
    %add3A_868 = arith.constant 2048 : i32
    %add3A_869 = arith.addi %mul3A_867, %add3A_868 : i32
    %add3A_870 = vector.broadcast %add3A_869 : i32 to vector<32x128xi32>
    %add3A_871 = arith.addi %iota3A, %add3A_870 : vector<32x128xi32>
    %lt3A_872 = arith.constant 100000 : i32
    %lt3A_873 = vector.broadcast %lt3A_872 : i32 to vector<32x128xi32>
    %lt3A_874 = arith.cmpi slt, %add3A_871, %lt3A_873 : vector<32x128xi32>
    %jit3A_875 = arith.constant -1.000000e+30 : f32
    %broadcast_in_dim3A_876 = vector.broadcast %jit3A_875 : f32 to vector<32x128xf32>
    %select_n3A_877 = arith.select %lt3A_874, %slice3A_865, %broadcast_in_dim3A_876 : vector<32x128xi1>, vector<32x128xf32>
    %gt3A_878 = arith.cmpf ogt, %select_n3A_877, %max3A_828 : vector<32x128xf32>
    %max3A_879 = arith.maximumf %select_n3A_877, %max3A_828 : vector<32x128xf32>
    %min3A_880 = arith.minimumf %select_n3A_877, %max3A_828 : vector<32x128xf32>
    %select_n3A_881 = arith.select %gt3A_878, %add3A_871, %select_n3A_830 : vector<32x128xi1>, vector<32x128xi32>
    %select_n3A_882 = arith.select %gt3A_878, %select_n3A_830, %add3A_871 : vector<32x128xi1>, vector<32x128xi32>
    %gt3A_883 = arith.cmpf ogt, %min3A_880, %max3A_833 : vector<32x128xf32>
    %max3A_884 = arith.maximumf %min3A_880, %max3A_833 : vector<32x128xf32>
    %min3A_885 = arith.minimumf %min3A_880, %max3A_833 : vector<32x128xf32>
    %select_n3A_886 = arith.select %gt3A_883, %select_n3A_882, %select_n3A_835 : vector<32x128xi1>, vector<32x128xi32>
    %select_n3A_887 = arith.select %gt3A_883, %select_n3A_835, %select_n3A_882 : vector<32x128xi1>, vector<32x128xi32>
    %gt3A_888 = arith.cmpf ogt, %min3A_885, %max3A_838 : vector<32x128xf32>
    %max3A_889 = arith.maximumf %min3A_885, %max3A_838 : vector<32x128xf32>
    %min3A_890 = arith.minimumf %min3A_885, %max3A_838 : vector<32x128xf32>
    %select_n3A_891 = arith.select %gt3A_888, %select_n3A_887, %select_n3A_840 : vector<32x128xi1>, vector<32x128xi32>
    %select_n3A_892 = arith.select %gt3A_888, %select_n3A_840, %select_n3A_887 : vector<32x128xi1>, vector<32x128xi32>
    %gt3A_893 = arith.cmpf ogt, %min3A_890, %max3A_843 : vector<32x128xf32>
    %max3A_894 = arith.maximumf %min3A_890, %max3A_843 : vector<32x128xf32>
    %min3A_895 = arith.minimumf %min3A_890, %max3A_843 : vector<32x128xf32>
    %select_n3A_896 = arith.select %gt3A_893, %select_n3A_892, %select_n3A_845 : vector<32x128xi1>, vector<32x128xi32>
    %select_n3A_897 = arith.select %gt3A_893, %select_n3A_845, %select_n3A_892 : vector<32x128xi1>, vector<32x128xi32>
    %gt3A_898 = arith.cmpf ogt, %min3A_895, %max3A_848 : vector<32x128xf32>
    %max3A_899 = arith.maximumf %min3A_895, %max3A_848 : vector<32x128xf32>
    %min3A_900 = arith.minimumf %min3A_895, %max3A_848 : vector<32x128xf32>
    %select_n3A_901 = arith.select %gt3A_898, %select_n3A_897, %select_n3A_850 : vector<32x128xi1>, vector<32x128xi32>
    %select_n3A_902 = arith.select %gt3A_898, %select_n3A_850, %select_n3A_897 : vector<32x128xi1>, vector<32x128xi32>
    %gt3A_903 = arith.cmpf ogt, %min3A_900, %max3A_853 : vector<32x128xf32>
    %max3A_904 = arith.maximumf %min3A_900, %max3A_853 : vector<32x128xf32>
    %min3A_905 = arith.minimumf %min3A_900, %max3A_853 : vector<32x128xf32>
    %select_n3A_906 = arith.select %gt3A_903, %select_n3A_902, %select_n3A_855 : vector<32x128xi1>, vector<32x128xi32>
    %select_n3A_907 = arith.select %gt3A_903, %select_n3A_855, %select_n3A_902 : vector<32x128xi1>, vector<32x128xi32>
    %gt3A_908 = arith.cmpf ogt, %min3A_905, %max3A_858 : vector<32x128xf32>
    %max3A_909 = arith.maximumf %min3A_905, %max3A_858 : vector<32x128xf32>
    %min3A_910 = arith.minimumf %min3A_905, %max3A_858 : vector<32x128xf32>
    %select_n3A_911 = arith.select %gt3A_908, %select_n3A_907, %select_n3A_860 : vector<32x128xi1>, vector<32x128xi32>
    %select_n3A_912 = arith.select %gt3A_908, %select_n3A_860, %select_n3A_907 : vector<32x128xi1>, vector<32x128xi32>
    %gt3A_913 = arith.cmpf ogt, %min3A_910, %max3A_863 : vector<32x128xf32>
    %max3A_914 = arith.maximumf %min3A_910, %max3A_863 : vector<32x128xf32>
    %select_n3A_915 = arith.select %gt3A_913, %select_n3A_912, %select_n3A_864 : vector<32x128xi1>, vector<32x128xi32>
    %slice3A_916 = vector.extract_strided_slice %mul3A_9 {offsets = [0, 2176], sizes = [32, 128], strides = [1, 1]} : vector<32x2944xf32> to vector<32x128xf32>
    %mul3A_917 = arith.constant 2944 : i32
    %mul3A_918 = arith.muli %arg0, %mul3A_917 : i32
    %add3A_919 = arith.constant 2176 : i32
    %add3A_920 = arith.addi %mul3A_918, %add3A_919 : i32
    %add3A_921 = vector.broadcast %add3A_920 : i32 to vector<32x128xi32>
    %add3A_922 = arith.addi %iota3A, %add3A_921 : vector<32x128xi32>
    %lt3A_923 = arith.constant 100000 : i32
    %lt3A_924 = vector.broadcast %lt3A_923 : i32 to vector<32x128xi32>
    %lt3A_925 = arith.cmpi slt, %add3A_922, %lt3A_924 : vector<32x128xi32>
    %jit3A_926 = arith.constant -1.000000e+30 : f32
    %broadcast_in_dim3A_927 = vector.broadcast %jit3A_926 : f32 to vector<32x128xf32>
    %select_n3A_928 = arith.select %lt3A_925, %slice3A_916, %broadcast_in_dim3A_927 : vector<32x128xi1>, vector<32x128xf32>
    %gt3A_929 = arith.cmpf ogt, %select_n3A_928, %max3A_879 : vector<32x128xf32>
    %max3A_930 = arith.maximumf %select_n3A_928, %max3A_879 : vector<32x128xf32>
    %min3A_931 = arith.minimumf %select_n3A_928, %max3A_879 : vector<32x128xf32>
    %select_n3A_932 = arith.select %gt3A_929, %add3A_922, %select_n3A_881 : vector<32x128xi1>, vector<32x128xi32>
    %select_n3A_933 = arith.select %gt3A_929, %select_n3A_881, %add3A_922 : vector<32x128xi1>, vector<32x128xi32>
    %gt3A_934 = arith.cmpf ogt, %min3A_931, %max3A_884 : vector<32x128xf32>
    %max3A_935 = arith.maximumf %min3A_931, %max3A_884 : vector<32x128xf32>
    %min3A_936 = arith.minimumf %min3A_931, %max3A_884 : vector<32x128xf32>
    %select_n3A_937 = arith.select %gt3A_934, %select_n3A_933, %select_n3A_886 : vector<32x128xi1>, vector<32x128xi32>
    %select_n3A_938 = arith.select %gt3A_934, %select_n3A_886, %select_n3A_933 : vector<32x128xi1>, vector<32x128xi32>
    %gt3A_939 = arith.cmpf ogt, %min3A_936, %max3A_889 : vector<32x128xf32>
    %max3A_940 = arith.maximumf %min3A_936, %max3A_889 : vector<32x128xf32>
    %min3A_941 = arith.minimumf %min3A_936, %max3A_889 : vector<32x128xf32>
    %select_n3A_942 = arith.select %gt3A_939, %select_n3A_938, %select_n3A_891 : vector<32x128xi1>, vector<32x128xi32>
    %select_n3A_943 = arith.select %gt3A_939, %select_n3A_891, %select_n3A_938 : vector<32x128xi1>, vector<32x128xi32>
    %gt3A_944 = arith.cmpf ogt, %min3A_941, %max3A_894 : vector<32x128xf32>
    %max3A_945 = arith.maximumf %min3A_941, %max3A_894 : vector<32x128xf32>
    %min3A_946 = arith.minimumf %min3A_941, %max3A_894 : vector<32x128xf32>
    %select_n3A_947 = arith.select %gt3A_944, %select_n3A_943, %select_n3A_896 : vector<32x128xi1>, vector<32x128xi32>
    %select_n3A_948 = arith.select %gt3A_944, %select_n3A_896, %select_n3A_943 : vector<32x128xi1>, vector<32x128xi32>
    %gt3A_949 = arith.cmpf ogt, %min3A_946, %max3A_899 : vector<32x128xf32>
    %max3A_950 = arith.maximumf %min3A_946, %max3A_899 : vector<32x128xf32>
    %min3A_951 = arith.minimumf %min3A_946, %max3A_899 : vector<32x128xf32>
    %select_n3A_952 = arith.select %gt3A_949, %select_n3A_948, %select_n3A_901 : vector<32x128xi1>, vector<32x128xi32>
    %select_n3A_953 = arith.select %gt3A_949, %select_n3A_901, %select_n3A_948 : vector<32x128xi1>, vector<32x128xi32>
    %gt3A_954 = arith.cmpf ogt, %min3A_951, %max3A_904 : vector<32x128xf32>
    %max3A_955 = arith.maximumf %min3A_951, %max3A_904 : vector<32x128xf32>
    %min3A_956 = arith.minimumf %min3A_951, %max3A_904 : vector<32x128xf32>
    %select_n3A_957 = arith.select %gt3A_954, %select_n3A_953, %select_n3A_906 : vector<32x128xi1>, vector<32x128xi32>
    %select_n3A_958 = arith.select %gt3A_954, %select_n3A_906, %select_n3A_953 : vector<32x128xi1>, vector<32x128xi32>
    %gt3A_959 = arith.cmpf ogt, %min3A_956, %max3A_909 : vector<32x128xf32>
    %max3A_960 = arith.maximumf %min3A_956, %max3A_909 : vector<32x128xf32>
    %min3A_961 = arith.minimumf %min3A_956, %max3A_909 : vector<32x128xf32>
    %select_n3A_962 = arith.select %gt3A_959, %select_n3A_958, %select_n3A_911 : vector<32x128xi1>, vector<32x128xi32>
    %select_n3A_963 = arith.select %gt3A_959, %select_n3A_911, %select_n3A_958 : vector<32x128xi1>, vector<32x128xi32>
    %gt3A_964 = arith.cmpf ogt, %min3A_961, %max3A_914 : vector<32x128xf32>
    %max3A_965 = arith.maximumf %min3A_961, %max3A_914 : vector<32x128xf32>
    %select_n3A_966 = arith.select %gt3A_964, %select_n3A_963, %select_n3A_915 : vector<32x128xi1>, vector<32x128xi32>
    %slice3A_967 = vector.extract_strided_slice %mul3A_9 {offsets = [0, 2304], sizes = [32, 128], strides = [1, 1]} : vector<32x2944xf32> to vector<32x128xf32>
    %mul3A_968 = arith.constant 2944 : i32
    %mul3A_969 = arith.muli %arg0, %mul3A_968 : i32
    %add3A_970 = arith.constant 2304 : i32
    %add3A_971 = arith.addi %mul3A_969, %add3A_970 : i32
    %add3A_972 = vector.broadcast %add3A_971 : i32 to vector<32x128xi32>
    %add3A_973 = arith.addi %iota3A, %add3A_972 : vector<32x128xi32>
    %lt3A_974 = arith.constant 100000 : i32
    %lt3A_975 = vector.broadcast %lt3A_974 : i32 to vector<32x128xi32>
    %lt3A_976 = arith.cmpi slt, %add3A_973, %lt3A_975 : vector<32x128xi32>
    %jit3A_977 = arith.constant -1.000000e+30 : f32
    %broadcast_in_dim3A_978 = vector.broadcast %jit3A_977 : f32 to vector<32x128xf32>
    %select_n3A_979 = arith.select %lt3A_976, %slice3A_967, %broadcast_in_dim3A_978 : vector<32x128xi1>, vector<32x128xf32>
    %gt3A_980 = arith.cmpf ogt, %select_n3A_979, %max3A_930 : vector<32x128xf32>
    %max3A_981 = arith.maximumf %select_n3A_979, %max3A_930 : vector<32x128xf32>
    %min3A_982 = arith.minimumf %select_n3A_979, %max3A_930 : vector<32x128xf32>
    %select_n3A_983 = arith.select %gt3A_980, %add3A_973, %select_n3A_932 : vector<32x128xi1>, vector<32x128xi32>
    %select_n3A_984 = arith.select %gt3A_980, %select_n3A_932, %add3A_973 : vector<32x128xi1>, vector<32x128xi32>
    %gt3A_985 = arith.cmpf ogt, %min3A_982, %max3A_935 : vector<32x128xf32>
    %max3A_986 = arith.maximumf %min3A_982, %max3A_935 : vector<32x128xf32>
    %min3A_987 = arith.minimumf %min3A_982, %max3A_935 : vector<32x128xf32>
    %select_n3A_988 = arith.select %gt3A_985, %select_n3A_984, %select_n3A_937 : vector<32x128xi1>, vector<32x128xi32>
    %select_n3A_989 = arith.select %gt3A_985, %select_n3A_937, %select_n3A_984 : vector<32x128xi1>, vector<32x128xi32>
    %gt3A_990 = arith.cmpf ogt, %min3A_987, %max3A_940 : vector<32x128xf32>
    %max3A_991 = arith.maximumf %min3A_987, %max3A_940 : vector<32x128xf32>
    %min3A_992 = arith.minimumf %min3A_987, %max3A_940 : vector<32x128xf32>
    %select_n3A_993 = arith.select %gt3A_990, %select_n3A_989, %select_n3A_942 : vector<32x128xi1>, vector<32x128xi32>
    %select_n3A_994 = arith.select %gt3A_990, %select_n3A_942, %select_n3A_989 : vector<32x128xi1>, vector<32x128xi32>
    %gt3A_995 = arith.cmpf ogt, %min3A_992, %max3A_945 : vector<32x128xf32>
    %max3A_996 = arith.maximumf %min3A_992, %max3A_945 : vector<32x128xf32>
    %min3A_997 = arith.minimumf %min3A_992, %max3A_945 : vector<32x128xf32>
    %select_n3A_998 = arith.select %gt3A_995, %select_n3A_994, %select_n3A_947 : vector<32x128xi1>, vector<32x128xi32>
    %select_n3A_999 = arith.select %gt3A_995, %select_n3A_947, %select_n3A_994 : vector<32x128xi1>, vector<32x128xi32>
    %gt3A_1000 = arith.cmpf ogt, %min3A_997, %max3A_950 : vector<32x128xf32>
    %max3A_1001 = arith.maximumf %min3A_997, %max3A_950 : vector<32x128xf32>
    %min3A_1002 = arith.minimumf %min3A_997, %max3A_950 : vector<32x128xf32>
    %select_n3A_1003 = arith.select %gt3A_1000, %select_n3A_999, %select_n3A_952 : vector<32x128xi1>, vector<32x128xi32>
    %select_n3A_1004 = arith.select %gt3A_1000, %select_n3A_952, %select_n3A_999 : vector<32x128xi1>, vector<32x128xi32>
    %gt3A_1005 = arith.cmpf ogt, %min3A_1002, %max3A_955 : vector<32x128xf32>
    %max3A_1006 = arith.maximumf %min3A_1002, %max3A_955 : vector<32x128xf32>
    %min3A_1007 = arith.minimumf %min3A_1002, %max3A_955 : vector<32x128xf32>
    %select_n3A_1008 = arith.select %gt3A_1005, %select_n3A_1004, %select_n3A_957 : vector<32x128xi1>, vector<32x128xi32>
    %select_n3A_1009 = arith.select %gt3A_1005, %select_n3A_957, %select_n3A_1004 : vector<32x128xi1>, vector<32x128xi32>
    %gt3A_1010 = arith.cmpf ogt, %min3A_1007, %max3A_960 : vector<32x128xf32>
    %max3A_1011 = arith.maximumf %min3A_1007, %max3A_960 : vector<32x128xf32>
    %min3A_1012 = arith.minimumf %min3A_1007, %max3A_960 : vector<32x128xf32>
    %select_n3A_1013 = arith.select %gt3A_1010, %select_n3A_1009, %select_n3A_962 : vector<32x128xi1>, vector<32x128xi32>
    %select_n3A_1014 = arith.select %gt3A_1010, %select_n3A_962, %select_n3A_1009 : vector<32x128xi1>, vector<32x128xi32>
    %gt3A_1015 = arith.cmpf ogt, %min3A_1012, %max3A_965 : vector<32x128xf32>
    %max3A_1016 = arith.maximumf %min3A_1012, %max3A_965 : vector<32x128xf32>
    %select_n3A_1017 = arith.select %gt3A_1015, %select_n3A_1014, %select_n3A_966 : vector<32x128xi1>, vector<32x128xi32>
    %slice3A_1018 = vector.extract_strided_slice %mul3A_9 {offsets = [0, 2432], sizes = [32, 128], strides = [1, 1]} : vector<32x2944xf32> to vector<32x128xf32>
    %mul3A_1019 = arith.constant 2944 : i32
    %mul3A_1020 = arith.muli %arg0, %mul3A_1019 : i32
    %add3A_1021 = arith.constant 2432 : i32
    %add3A_1022 = arith.addi %mul3A_1020, %add3A_1021 : i32
    %add3A_1023 = vector.broadcast %add3A_1022 : i32 to vector<32x128xi32>
    %add3A_1024 = arith.addi %iota3A, %add3A_1023 : vector<32x128xi32>
    %lt3A_1025 = arith.constant 100000 : i32
    %lt3A_1026 = vector.broadcast %lt3A_1025 : i32 to vector<32x128xi32>
    %lt3A_1027 = arith.cmpi slt, %add3A_1024, %lt3A_1026 : vector<32x128xi32>
    %jit3A_1028 = arith.constant -1.000000e+30 : f32
    %broadcast_in_dim3A_1029 = vector.broadcast %jit3A_1028 : f32 to vector<32x128xf32>
    %select_n3A_1030 = arith.select %lt3A_1027, %slice3A_1018, %broadcast_in_dim3A_1029 : vector<32x128xi1>, vector<32x128xf32>
    %gt3A_1031 = arith.cmpf ogt, %select_n3A_1030, %max3A_981 : vector<32x128xf32>
    %max3A_1032 = arith.maximumf %select_n3A_1030, %max3A_981 : vector<32x128xf32>
    %min3A_1033 = arith.minimumf %select_n3A_1030, %max3A_981 : vector<32x128xf32>
    %select_n3A_1034 = arith.select %gt3A_1031, %add3A_1024, %select_n3A_983 : vector<32x128xi1>, vector<32x128xi32>
    %select_n3A_1035 = arith.select %gt3A_1031, %select_n3A_983, %add3A_1024 : vector<32x128xi1>, vector<32x128xi32>
    %gt3A_1036 = arith.cmpf ogt, %min3A_1033, %max3A_986 : vector<32x128xf32>
    %max3A_1037 = arith.maximumf %min3A_1033, %max3A_986 : vector<32x128xf32>
    %min3A_1038 = arith.minimumf %min3A_1033, %max3A_986 : vector<32x128xf32>
    %select_n3A_1039 = arith.select %gt3A_1036, %select_n3A_1035, %select_n3A_988 : vector<32x128xi1>, vector<32x128xi32>
    %select_n3A_1040 = arith.select %gt3A_1036, %select_n3A_988, %select_n3A_1035 : vector<32x128xi1>, vector<32x128xi32>
    %gt3A_1041 = arith.cmpf ogt, %min3A_1038, %max3A_991 : vector<32x128xf32>
    %max3A_1042 = arith.maximumf %min3A_1038, %max3A_991 : vector<32x128xf32>
    %min3A_1043 = arith.minimumf %min3A_1038, %max3A_991 : vector<32x128xf32>
    %select_n3A_1044 = arith.select %gt3A_1041, %select_n3A_1040, %select_n3A_993 : vector<32x128xi1>, vector<32x128xi32>
    %select_n3A_1045 = arith.select %gt3A_1041, %select_n3A_993, %select_n3A_1040 : vector<32x128xi1>, vector<32x128xi32>
    %gt3A_1046 = arith.cmpf ogt, %min3A_1043, %max3A_996 : vector<32x128xf32>
    %max3A_1047 = arith.maximumf %min3A_1043, %max3A_996 : vector<32x128xf32>
    %min3A_1048 = arith.minimumf %min3A_1043, %max3A_996 : vector<32x128xf32>
    %select_n3A_1049 = arith.select %gt3A_1046, %select_n3A_1045, %select_n3A_998 : vector<32x128xi1>, vector<32x128xi32>
    %select_n3A_1050 = arith.select %gt3A_1046, %select_n3A_998, %select_n3A_1045 : vector<32x128xi1>, vector<32x128xi32>
    %gt3A_1051 = arith.cmpf ogt, %min3A_1048, %max3A_1001 : vector<32x128xf32>
    %max3A_1052 = arith.maximumf %min3A_1048, %max3A_1001 : vector<32x128xf32>
    %min3A_1053 = arith.minimumf %min3A_1048, %max3A_1001 : vector<32x128xf32>
    %select_n3A_1054 = arith.select %gt3A_1051, %select_n3A_1050, %select_n3A_1003 : vector<32x128xi1>, vector<32x128xi32>
    %select_n3A_1055 = arith.select %gt3A_1051, %select_n3A_1003, %select_n3A_1050 : vector<32x128xi1>, vector<32x128xi32>
    %gt3A_1056 = arith.cmpf ogt, %min3A_1053, %max3A_1006 : vector<32x128xf32>
    %max3A_1057 = arith.maximumf %min3A_1053, %max3A_1006 : vector<32x128xf32>
    %min3A_1058 = arith.minimumf %min3A_1053, %max3A_1006 : vector<32x128xf32>
    %select_n3A_1059 = arith.select %gt3A_1056, %select_n3A_1055, %select_n3A_1008 : vector<32x128xi1>, vector<32x128xi32>
    %select_n3A_1060 = arith.select %gt3A_1056, %select_n3A_1008, %select_n3A_1055 : vector<32x128xi1>, vector<32x128xi32>
    %gt3A_1061 = arith.cmpf ogt, %min3A_1058, %max3A_1011 : vector<32x128xf32>
    %max3A_1062 = arith.maximumf %min3A_1058, %max3A_1011 : vector<32x128xf32>
    %min3A_1063 = arith.minimumf %min3A_1058, %max3A_1011 : vector<32x128xf32>
    %select_n3A_1064 = arith.select %gt3A_1061, %select_n3A_1060, %select_n3A_1013 : vector<32x128xi1>, vector<32x128xi32>
    %select_n3A_1065 = arith.select %gt3A_1061, %select_n3A_1013, %select_n3A_1060 : vector<32x128xi1>, vector<32x128xi32>
    %gt3A_1066 = arith.cmpf ogt, %min3A_1063, %max3A_1016 : vector<32x128xf32>
    %max3A_1067 = arith.maximumf %min3A_1063, %max3A_1016 : vector<32x128xf32>
    %select_n3A_1068 = arith.select %gt3A_1066, %select_n3A_1065, %select_n3A_1017 : vector<32x128xi1>, vector<32x128xi32>
    %slice3A_1069 = vector.extract_strided_slice %mul3A_9 {offsets = [0, 2560], sizes = [32, 128], strides = [1, 1]} : vector<32x2944xf32> to vector<32x128xf32>
    %mul3A_1070 = arith.constant 2944 : i32
    %mul3A_1071 = arith.muli %arg0, %mul3A_1070 : i32
    %add3A_1072 = arith.constant 2560 : i32
    %add3A_1073 = arith.addi %mul3A_1071, %add3A_1072 : i32
    %add3A_1074 = vector.broadcast %add3A_1073 : i32 to vector<32x128xi32>
    %add3A_1075 = arith.addi %iota3A, %add3A_1074 : vector<32x128xi32>
    %lt3A_1076 = arith.constant 100000 : i32
    %lt3A_1077 = vector.broadcast %lt3A_1076 : i32 to vector<32x128xi32>
    %lt3A_1078 = arith.cmpi slt, %add3A_1075, %lt3A_1077 : vector<32x128xi32>
    %jit3A_1079 = arith.constant -1.000000e+30 : f32
    %broadcast_in_dim3A_1080 = vector.broadcast %jit3A_1079 : f32 to vector<32x128xf32>
    %select_n3A_1081 = arith.select %lt3A_1078, %slice3A_1069, %broadcast_in_dim3A_1080 : vector<32x128xi1>, vector<32x128xf32>
    %gt3A_1082 = arith.cmpf ogt, %select_n3A_1081, %max3A_1032 : vector<32x128xf32>
    %max3A_1083 = arith.maximumf %select_n3A_1081, %max3A_1032 : vector<32x128xf32>
    %min3A_1084 = arith.minimumf %select_n3A_1081, %max3A_1032 : vector<32x128xf32>
    %select_n3A_1085 = arith.select %gt3A_1082, %add3A_1075, %select_n3A_1034 : vector<32x128xi1>, vector<32x128xi32>
    %select_n3A_1086 = arith.select %gt3A_1082, %select_n3A_1034, %add3A_1075 : vector<32x128xi1>, vector<32x128xi32>
    %gt3A_1087 = arith.cmpf ogt, %min3A_1084, %max3A_1037 : vector<32x128xf32>
    %max3A_1088 = arith.maximumf %min3A_1084, %max3A_1037 : vector<32x128xf32>
    %min3A_1089 = arith.minimumf %min3A_1084, %max3A_1037 : vector<32x128xf32>
    %select_n3A_1090 = arith.select %gt3A_1087, %select_n3A_1086, %select_n3A_1039 : vector<32x128xi1>, vector<32x128xi32>
    %select_n3A_1091 = arith.select %gt3A_1087, %select_n3A_1039, %select_n3A_1086 : vector<32x128xi1>, vector<32x128xi32>
    %gt3A_1092 = arith.cmpf ogt, %min3A_1089, %max3A_1042 : vector<32x128xf32>
    %max3A_1093 = arith.maximumf %min3A_1089, %max3A_1042 : vector<32x128xf32>
    %min3A_1094 = arith.minimumf %min3A_1089, %max3A_1042 : vector<32x128xf32>
    %select_n3A_1095 = arith.select %gt3A_1092, %select_n3A_1091, %select_n3A_1044 : vector<32x128xi1>, vector<32x128xi32>
    %select_n3A_1096 = arith.select %gt3A_1092, %select_n3A_1044, %select_n3A_1091 : vector<32x128xi1>, vector<32x128xi32>
    %gt3A_1097 = arith.cmpf ogt, %min3A_1094, %max3A_1047 : vector<32x128xf32>
    %max3A_1098 = arith.maximumf %min3A_1094, %max3A_1047 : vector<32x128xf32>
    %min3A_1099 = arith.minimumf %min3A_1094, %max3A_1047 : vector<32x128xf32>
    %select_n3A_1100 = arith.select %gt3A_1097, %select_n3A_1096, %select_n3A_1049 : vector<32x128xi1>, vector<32x128xi32>
    %select_n3A_1101 = arith.select %gt3A_1097, %select_n3A_1049, %select_n3A_1096 : vector<32x128xi1>, vector<32x128xi32>
    %gt3A_1102 = arith.cmpf ogt, %min3A_1099, %max3A_1052 : vector<32x128xf32>
    %max3A_1103 = arith.maximumf %min3A_1099, %max3A_1052 : vector<32x128xf32>
    %min3A_1104 = arith.minimumf %min3A_1099, %max3A_1052 : vector<32x128xf32>
    %select_n3A_1105 = arith.select %gt3A_1102, %select_n3A_1101, %select_n3A_1054 : vector<32x128xi1>, vector<32x128xi32>
    %select_n3A_1106 = arith.select %gt3A_1102, %select_n3A_1054, %select_n3A_1101 : vector<32x128xi1>, vector<32x128xi32>
    %gt3A_1107 = arith.cmpf ogt, %min3A_1104, %max3A_1057 : vector<32x128xf32>
    %max3A_1108 = arith.maximumf %min3A_1104, %max3A_1057 : vector<32x128xf32>
    %min3A_1109 = arith.minimumf %min3A_1104, %max3A_1057 : vector<32x128xf32>
    %select_n3A_1110 = arith.select %gt3A_1107, %select_n3A_1106, %select_n3A_1059 : vector<32x128xi1>, vector<32x128xi32>
    %select_n3A_1111 = arith.select %gt3A_1107, %select_n3A_1059, %select_n3A_1106 : vector<32x128xi1>, vector<32x128xi32>
    %gt3A_1112 = arith.cmpf ogt, %min3A_1109, %max3A_1062 : vector<32x128xf32>
    %max3A_1113 = arith.maximumf %min3A_1109, %max3A_1062 : vector<32x128xf32>
    %min3A_1114 = arith.minimumf %min3A_1109, %max3A_1062 : vector<32x128xf32>
    %select_n3A_1115 = arith.select %gt3A_1112, %select_n3A_1111, %select_n3A_1064 : vector<32x128xi1>, vector<32x128xi32>
    %select_n3A_1116 = arith.select %gt3A_1112, %select_n3A_1064, %select_n3A_1111 : vector<32x128xi1>, vector<32x128xi32>
    %gt3A_1117 = arith.cmpf ogt, %min3A_1114, %max3A_1067 : vector<32x128xf32>
    %max3A_1118 = arith.maximumf %min3A_1114, %max3A_1067 : vector<32x128xf32>
    %select_n3A_1119 = arith.select %gt3A_1117, %select_n3A_1116, %select_n3A_1068 : vector<32x128xi1>, vector<32x128xi32>
    %slice3A_1120 = vector.extract_strided_slice %mul3A_9 {offsets = [0, 2688], sizes = [32, 128], strides = [1, 1]} : vector<32x2944xf32> to vector<32x128xf32>
    %mul3A_1121 = arith.constant 2944 : i32
    %mul3A_1122 = arith.muli %arg0, %mul3A_1121 : i32
    %add3A_1123 = arith.constant 2688 : i32
    %add3A_1124 = arith.addi %mul3A_1122, %add3A_1123 : i32
    %add3A_1125 = vector.broadcast %add3A_1124 : i32 to vector<32x128xi32>
    %add3A_1126 = arith.addi %iota3A, %add3A_1125 : vector<32x128xi32>
    %lt3A_1127 = arith.constant 100000 : i32
    %lt3A_1128 = vector.broadcast %lt3A_1127 : i32 to vector<32x128xi32>
    %lt3A_1129 = arith.cmpi slt, %add3A_1126, %lt3A_1128 : vector<32x128xi32>
    %jit3A_1130 = arith.constant -1.000000e+30 : f32
    %broadcast_in_dim3A_1131 = vector.broadcast %jit3A_1130 : f32 to vector<32x128xf32>
    %select_n3A_1132 = arith.select %lt3A_1129, %slice3A_1120, %broadcast_in_dim3A_1131 : vector<32x128xi1>, vector<32x128xf32>
    %gt3A_1133 = arith.cmpf ogt, %select_n3A_1132, %max3A_1083 : vector<32x128xf32>
    %max3A_1134 = arith.maximumf %select_n3A_1132, %max3A_1083 : vector<32x128xf32>
    %min3A_1135 = arith.minimumf %select_n3A_1132, %max3A_1083 : vector<32x128xf32>
    %select_n3A_1136 = arith.select %gt3A_1133, %add3A_1126, %select_n3A_1085 : vector<32x128xi1>, vector<32x128xi32>
    %select_n3A_1137 = arith.select %gt3A_1133, %select_n3A_1085, %add3A_1126 : vector<32x128xi1>, vector<32x128xi32>
    %gt3A_1138 = arith.cmpf ogt, %min3A_1135, %max3A_1088 : vector<32x128xf32>
    %max3A_1139 = arith.maximumf %min3A_1135, %max3A_1088 : vector<32x128xf32>
    %min3A_1140 = arith.minimumf %min3A_1135, %max3A_1088 : vector<32x128xf32>
    %select_n3A_1141 = arith.select %gt3A_1138, %select_n3A_1137, %select_n3A_1090 : vector<32x128xi1>, vector<32x128xi32>
    %select_n3A_1142 = arith.select %gt3A_1138, %select_n3A_1090, %select_n3A_1137 : vector<32x128xi1>, vector<32x128xi32>
    %gt3A_1143 = arith.cmpf ogt, %min3A_1140, %max3A_1093 : vector<32x128xf32>
    %max3A_1144 = arith.maximumf %min3A_1140, %max3A_1093 : vector<32x128xf32>
    %min3A_1145 = arith.minimumf %min3A_1140, %max3A_1093 : vector<32x128xf32>
    %select_n3A_1146 = arith.select %gt3A_1143, %select_n3A_1142, %select_n3A_1095 : vector<32x128xi1>, vector<32x128xi32>
    %select_n3A_1147 = arith.select %gt3A_1143, %select_n3A_1095, %select_n3A_1142 : vector<32x128xi1>, vector<32x128xi32>
    %gt3A_1148 = arith.cmpf ogt, %min3A_1145, %max3A_1098 : vector<32x128xf32>
    %max3A_1149 = arith.maximumf %min3A_1145, %max3A_1098 : vector<32x128xf32>
    %min3A_1150 = arith.minimumf %min3A_1145, %max3A_1098 : vector<32x128xf32>
    %select_n3A_1151 = arith.select %gt3A_1148, %select_n3A_1147, %select_n3A_1100 : vector<32x128xi1>, vector<32x128xi32>
    %select_n3A_1152 = arith.select %gt3A_1148, %select_n3A_1100, %select_n3A_1147 : vector<32x128xi1>, vector<32x128xi32>
    %gt3A_1153 = arith.cmpf ogt, %min3A_1150, %max3A_1103 : vector<32x128xf32>
    %max3A_1154 = arith.maximumf %min3A_1150, %max3A_1103 : vector<32x128xf32>
    %min3A_1155 = arith.minimumf %min3A_1150, %max3A_1103 : vector<32x128xf32>
    %select_n3A_1156 = arith.select %gt3A_1153, %select_n3A_1152, %select_n3A_1105 : vector<32x128xi1>, vector<32x128xi32>
    %select_n3A_1157 = arith.select %gt3A_1153, %select_n3A_1105, %select_n3A_1152 : vector<32x128xi1>, vector<32x128xi32>
    %gt3A_1158 = arith.cmpf ogt, %min3A_1155, %max3A_1108 : vector<32x128xf32>
    %max3A_1159 = arith.maximumf %min3A_1155, %max3A_1108 : vector<32x128xf32>
    %min3A_1160 = arith.minimumf %min3A_1155, %max3A_1108 : vector<32x128xf32>
    %select_n3A_1161 = arith.select %gt3A_1158, %select_n3A_1157, %select_n3A_1110 : vector<32x128xi1>, vector<32x128xi32>
    %select_n3A_1162 = arith.select %gt3A_1158, %select_n3A_1110, %select_n3A_1157 : vector<32x128xi1>, vector<32x128xi32>
    %gt3A_1163 = arith.cmpf ogt, %min3A_1160, %max3A_1113 : vector<32x128xf32>
    %max3A_1164 = arith.maximumf %min3A_1160, %max3A_1113 : vector<32x128xf32>
    %min3A_1165 = arith.minimumf %min3A_1160, %max3A_1113 : vector<32x128xf32>
    %select_n3A_1166 = arith.select %gt3A_1163, %select_n3A_1162, %select_n3A_1115 : vector<32x128xi1>, vector<32x128xi32>
    %select_n3A_1167 = arith.select %gt3A_1163, %select_n3A_1115, %select_n3A_1162 : vector<32x128xi1>, vector<32x128xi32>
    %gt3A_1168 = arith.cmpf ogt, %min3A_1165, %max3A_1118 : vector<32x128xf32>
    %max3A_1169 = arith.maximumf %min3A_1165, %max3A_1118 : vector<32x128xf32>
    %select_n3A_1170 = arith.select %gt3A_1168, %select_n3A_1167, %select_n3A_1119 : vector<32x128xi1>, vector<32x128xi32>
    %slice3A_1171 = vector.extract_strided_slice %mul3A_9 {offsets = [0, 2816], sizes = [32, 128], strides = [1, 1]} : vector<32x2944xf32> to vector<32x128xf32>
    %mul3A_1172 = arith.constant 2944 : i32
    %mul3A_1173 = arith.muli %arg0, %mul3A_1172 : i32
    %add3A_1174 = arith.constant 2816 : i32
    %add3A_1175 = arith.addi %mul3A_1173, %add3A_1174 : i32
    %add3A_1176 = vector.broadcast %add3A_1175 : i32 to vector<32x128xi32>
    %add3A_1177 = arith.addi %iota3A, %add3A_1176 : vector<32x128xi32>
    %lt3A_1178 = arith.constant 100000 : i32
    %lt3A_1179 = vector.broadcast %lt3A_1178 : i32 to vector<32x128xi32>
    %lt3A_1180 = arith.cmpi slt, %add3A_1177, %lt3A_1179 : vector<32x128xi32>
    %jit3A_1181 = arith.constant -1.000000e+30 : f32
    %broadcast_in_dim3A_1182 = vector.broadcast %jit3A_1181 : f32 to vector<32x128xf32>
    %select_n3A_1183 = arith.select %lt3A_1180, %slice3A_1171, %broadcast_in_dim3A_1182 : vector<32x128xi1>, vector<32x128xf32>
    %gt3A_1184 = arith.cmpf ogt, %select_n3A_1183, %max3A_1134 : vector<32x128xf32>
    %max3A_1185 = arith.maximumf %select_n3A_1183, %max3A_1134 : vector<32x128xf32>
    %min3A_1186 = arith.minimumf %select_n3A_1183, %max3A_1134 : vector<32x128xf32>
    %select_n3A_1187 = arith.select %gt3A_1184, %add3A_1177, %select_n3A_1136 : vector<32x128xi1>, vector<32x128xi32>
    %select_n3A_1188 = arith.select %gt3A_1184, %select_n3A_1136, %add3A_1177 : vector<32x128xi1>, vector<32x128xi32>
    %gt3A_1189 = arith.cmpf ogt, %min3A_1186, %max3A_1139 : vector<32x128xf32>
    %max3A_1190 = arith.maximumf %min3A_1186, %max3A_1139 : vector<32x128xf32>
    %min3A_1191 = arith.minimumf %min3A_1186, %max3A_1139 : vector<32x128xf32>
    %select_n3A_1192 = arith.select %gt3A_1189, %select_n3A_1188, %select_n3A_1141 : vector<32x128xi1>, vector<32x128xi32>
    %select_n3A_1193 = arith.select %gt3A_1189, %select_n3A_1141, %select_n3A_1188 : vector<32x128xi1>, vector<32x128xi32>
    %gt3A_1194 = arith.cmpf ogt, %min3A_1191, %max3A_1144 : vector<32x128xf32>
    %max3A_1195 = arith.maximumf %min3A_1191, %max3A_1144 : vector<32x128xf32>
    %min3A_1196 = arith.minimumf %min3A_1191, %max3A_1144 : vector<32x128xf32>
    %select_n3A_1197 = arith.select %gt3A_1194, %select_n3A_1193, %select_n3A_1146 : vector<32x128xi1>, vector<32x128xi32>
    %select_n3A_1198 = arith.select %gt3A_1194, %select_n3A_1146, %select_n3A_1193 : vector<32x128xi1>, vector<32x128xi32>
    %gt3A_1199 = arith.cmpf ogt, %min3A_1196, %max3A_1149 : vector<32x128xf32>
    %max3A_1200 = arith.maximumf %min3A_1196, %max3A_1149 : vector<32x128xf32>
    %min3A_1201 = arith.minimumf %min3A_1196, %max3A_1149 : vector<32x128xf32>
    %select_n3A_1202 = arith.select %gt3A_1199, %select_n3A_1198, %select_n3A_1151 : vector<32x128xi1>, vector<32x128xi32>
    %select_n3A_1203 = arith.select %gt3A_1199, %select_n3A_1151, %select_n3A_1198 : vector<32x128xi1>, vector<32x128xi32>
    %gt3A_1204 = arith.cmpf ogt, %min3A_1201, %max3A_1154 : vector<32x128xf32>
    %max3A_1205 = arith.maximumf %min3A_1201, %max3A_1154 : vector<32x128xf32>
    %min3A_1206 = arith.minimumf %min3A_1201, %max3A_1154 : vector<32x128xf32>
    %select_n3A_1207 = arith.select %gt3A_1204, %select_n3A_1203, %select_n3A_1156 : vector<32x128xi1>, vector<32x128xi32>
    %select_n3A_1208 = arith.select %gt3A_1204, %select_n3A_1156, %select_n3A_1203 : vector<32x128xi1>, vector<32x128xi32>
    %gt3A_1209 = arith.cmpf ogt, %min3A_1206, %max3A_1159 : vector<32x128xf32>
    %max3A_1210 = arith.maximumf %min3A_1206, %max3A_1159 : vector<32x128xf32>
    %min3A_1211 = arith.minimumf %min3A_1206, %max3A_1159 : vector<32x128xf32>
    %select_n3A_1212 = arith.select %gt3A_1209, %select_n3A_1208, %select_n3A_1161 : vector<32x128xi1>, vector<32x128xi32>
    %select_n3A_1213 = arith.select %gt3A_1209, %select_n3A_1161, %select_n3A_1208 : vector<32x128xi1>, vector<32x128xi32>
    %gt3A_1214 = arith.cmpf ogt, %min3A_1211, %max3A_1164 : vector<32x128xf32>
    %max3A_1215 = arith.maximumf %min3A_1211, %max3A_1164 : vector<32x128xf32>
    %min3A_1216 = arith.minimumf %min3A_1211, %max3A_1164 : vector<32x128xf32>
    %select_n3A_1217 = arith.select %gt3A_1214, %select_n3A_1213, %select_n3A_1166 : vector<32x128xi1>, vector<32x128xi32>
    %select_n3A_1218 = arith.select %gt3A_1214, %select_n3A_1166, %select_n3A_1213 : vector<32x128xi1>, vector<32x128xi32>
    %gt3A_1219 = arith.cmpf ogt, %min3A_1216, %max3A_1169 : vector<32x128xf32>
    %max3A_1220 = arith.maximumf %min3A_1216, %max3A_1169 : vector<32x128xf32>
    %select_n3A_1221 = arith.select %gt3A_1219, %select_n3A_1218, %select_n3A_1170 : vector<32x128xi1>, vector<32x128xi32>
    %swap3A = arith.constant 0 : index
    %swap3A_1222 = arith.constant 0 : index
    %swap3A_1223 = vector.load %arg7[%swap3A, %swap3A_1222] : memref<32x1024xf32, #tpu.memory_space<vmem>>, vector<32x128xf32>
    tpu.vector_store %arg7[%swap3A, %swap3A_1222], %max3A_1185 {strides = array<i32>} : memref<32x1024xf32, #tpu.memory_space<vmem>>, vector<32x128xf32>,
    %swap3A_1224 = arith.constant 0 : index
    %swap3A_1225 = arith.constant 0 : index
    %swap3A_1226 = vector.load %arg8[%swap3A_1224, %swap3A_1225] : memref<32x1024xi32, #tpu.memory_space<vmem>>, vector<32x128xi32>
    tpu.vector_store %arg8[%swap3A_1224, %swap3A_1225], %select_n3A_1187 {strides = array<i32>} : memref<32x1024xi32, #tpu.memory_space<vmem>>, vector<32x128xi32>,
    %swap3A_1227 = arith.constant 0 : index
    %swap3A_1228 = arith.constant 128 : index
    %swap3A_1229 = vector.load %arg7[%swap3A_1227, %swap3A_1228] : memref<32x1024xf32, #tpu.memory_space<vmem>>, vector<32x128xf32>
    tpu.vector_store %arg7[%swap3A_1227, %swap3A_1228], %max3A_1190 {strides = array<i32>} : memref<32x1024xf32, #tpu.memory_space<vmem>>, vector<32x128xf32>,
    %swap3A_1230 = arith.constant 0 : index
    %swap3A_1231 = arith.constant 128 : index
    %swap3A_1232 = vector.load %arg8[%swap3A_1230, %swap3A_1231] : memref<32x1024xi32, #tpu.memory_space<vmem>>, vector<32x128xi32>
    tpu.vector_store %arg8[%swap3A_1230, %swap3A_1231], %select_n3A_1192 {strides = array<i32>} : memref<32x1024xi32, #tpu.memory_space<vmem>>, vector<32x128xi32>,
    %swap3A_1233 = arith.constant 0 : index
    %swap3A_1234 = arith.constant 256 : index
    %swap3A_1235 = vector.load %arg7[%swap3A_1233, %swap3A_1234] : memref<32x1024xf32, #tpu.memory_space<vmem>>, vector<32x128xf32>
    tpu.vector_store %arg7[%swap3A_1233, %swap3A_1234], %max3A_1195 {strides = array<i32>} : memref<32x1024xf32, #tpu.memory_space<vmem>>, vector<32x128xf32>,
    %swap3A_1236 = arith.constant 0 : index
    %swap3A_1237 = arith.constant 256 : index
    %swap3A_1238 = vector.load %arg8[%swap3A_1236, %swap3A_1237] : memref<32x1024xi32, #tpu.memory_space<vmem>>, vector<32x128xi32>
    tpu.vector_store %arg8[%swap3A_1236, %swap3A_1237], %select_n3A_1197 {strides = array<i32>} : memref<32x1024xi32, #tpu.memory_space<vmem>>, vector<32x128xi32>,
    %swap3A_1239 = arith.constant 0 : index
    %swap3A_1240 = arith.constant 384 : index
    %swap3A_1241 = vector.load %arg7[%swap3A_1239, %swap3A_1240] : memref<32x1024xf32, #tpu.memory_space<vmem>>, vector<32x128xf32>
    tpu.vector_store %arg7[%swap3A_1239, %swap3A_1240], %max3A_1200 {strides = array<i32>} : memref<32x1024xf32, #tpu.memory_space<vmem>>, vector<32x128xf32>,
    %swap3A_1242 = arith.constant 0 : index
    %swap3A_1243 = arith.constant 384 : index
    %swap3A_1244 = vector.load %arg8[%swap3A_1242, %swap3A_1243] : memref<32x1024xi32, #tpu.memory_space<vmem>>, vector<32x128xi32>
    tpu.vector_store %arg8[%swap3A_1242, %swap3A_1243], %select_n3A_1202 {strides = array<i32>} : memref<32x1024xi32, #tpu.memory_space<vmem>>, vector<32x128xi32>,
    %swap3A_1245 = arith.constant 0 : index
    %swap3A_1246 = arith.constant 512 : index
    %swap3A_1247 = vector.load %arg7[%swap3A_1245, %swap3A_1246] : memref<32x1024xf32, #tpu.memory_space<vmem>>, vector<32x128xf32>
    tpu.vector_store %arg7[%swap3A_1245, %swap3A_1246], %max3A_1205 {strides = array<i32>} : memref<32x1024xf32, #tpu.memory_space<vmem>>, vector<32x128xf32>,
    %swap3A_1248 = arith.constant 0 : index
    %swap3A_1249 = arith.constant 512 : index
    %swap3A_1250 = vector.load %arg8[%swap3A_1248, %swap3A_1249] : memref<32x1024xi32, #tpu.memory_space<vmem>>, vector<32x128xi32>
    tpu.vector_store %arg8[%swap3A_1248, %swap3A_1249], %select_n3A_1207 {strides = array<i32>} : memref<32x1024xi32, #tpu.memory_space<vmem>>, vector<32x128xi32>,
    %swap3A_1251 = arith.constant 0 : index
    %swap3A_1252 = arith.constant 640 : index
    %swap3A_1253 = vector.load %arg7[%swap3A_1251, %swap3A_1252] : memref<32x1024xf32, #tpu.memory_space<vmem>>, vector<32x128xf32>
    tpu.vector_store %arg7[%swap3A_1251, %swap3A_1252], %max3A_1210 {strides = array<i32>} : memref<32x1024xf32, #tpu.memory_space<vmem>>, vector<32x128xf32>,
    %swap3A_1254 = arith.constant 0 : index
    %swap3A_1255 = arith.constant 640 : index
    %swap3A_1256 = vector.load %arg8[%swap3A_1254, %swap3A_1255] : memref<32x1024xi32, #tpu.memory_space<vmem>>, vector<32x128xi32>
    tpu.vector_store %arg8[%swap3A_1254, %swap3A_1255], %select_n3A_1212 {strides = array<i32>} : memref<32x1024xi32, #tpu.memory_space<vmem>>, vector<32x128xi32>,
    %swap3A_1257 = arith.constant 0 : index
    %swap3A_1258 = arith.constant 768 : index
    %swap3A_1259 = vector.load %arg7[%swap3A_1257, %swap3A_1258] : memref<32x1024xf32, #tpu.memory_space<vmem>>, vector<32x128xf32>
    tpu.vector_store %arg7[%swap3A_1257, %swap3A_1258], %max3A_1215 {strides = array<i32>} : memref<32x1024xf32, #tpu.memory_space<vmem>>, vector<32x128xf32>,
    %swap3A_1260 = arith.constant 0 : index
    %swap3A_1261 = arith.constant 768 : index
    %swap3A_1262 = vector.load %arg8[%swap3A_1260, %swap3A_1261] : memref<32x1024xi32, #tpu.memory_space<vmem>>, vector<32x128xi32>
    tpu.vector_store %arg8[%swap3A_1260, %swap3A_1261], %select_n3A_1217 {strides = array<i32>} : memref<32x1024xi32, #tpu.memory_space<vmem>>, vector<32x128xi32>,
    %swap3A_1263 = arith.constant 0 : index
    %swap3A_1264 = arith.constant 896 : index
    %swap3A_1265 = vector.load %arg7[%swap3A_1263, %swap3A_1264] : memref<32x1024xf32, #tpu.memory_space<vmem>>, vector<32x128xf32>
    tpu.vector_store %arg7[%swap3A_1263, %swap3A_1264], %max3A_1220 {strides = array<i32>} : memref<32x1024xf32, #tpu.memory_space<vmem>>, vector<32x128xf32>,
    %swap3A_1266 = arith.constant 0 : index
    %swap3A_1267 = arith.constant 896 : index
    %swap3A_1268 = vector.load %arg8[%swap3A_1266, %swap3A_1267] : memref<32x1024xi32, #tpu.memory_space<vmem>>, vector<32x128xi32>
    tpu.vector_store %arg8[%swap3A_1266, %swap3A_1267], %select_n3A_1221 {strides = array<i32>} : memref<32x1024xi32, #tpu.memory_space<vmem>>, vector<32x128xi32>,
    %eq3A_1269 = arith.constant 33 : i32
    %eq3A_1270 = arith.cmpi eq, %arg0, %eq3A_1269 : i32
    %convert_element_type3A_1271 = arith.extui %eq3A_1270 : i1 to i32
    %cond3A_1272 = arith.constant 0 : i32
    %cond3A_1273 = arith.cmpi ne, %convert_element_type3A_1271, %cond3A_1272 : i32
    scf.if %cond3A_1273 {
      %get3A_1274 = arith.constant 0 : index
      %get3A_1275 = arith.constant 0 : index
      %get3A_1276 = vector.load %arg7[%get3A_1274, %get3A_1275] : memref<32x1024xf32, #tpu.memory_space<vmem>>, vector<32x1024xf32>
      %get3A_1277 = arith.constant 0 : index
      %get3A_1278 = arith.constant 0 : index
      %get3A_1279 = vector.load %arg8[%get3A_1277, %get3A_1278] : memref<32x1024xi32, #tpu.memory_space<vmem>>, vector<32x1024xi32>
      %reduce_max3A = arith.constant dense<0xFF800000> : vector<32xf32>
      %reduce_max3A_1280 = vector.multi_reduction <maximumf>, %get3A_1276, %reduce_max3A [1] : vector<32x1024xf32> to vector<32xf32>
      %broadcast_in_dim3A_1281 = vector.shape_cast %reduce_max3A_1280 : vector<32xf32> to vector<32x1xf32>
      %eq3A_1282 = vector.broadcast %broadcast_in_dim3A_1281 : vector<32x1xf32> to vector<32x1024xf32>
      %eq3A_1283 = arith.cmpf oeq, %get3A_1276, %eq3A_1282 : vector<32x1024xf32>
      %jit3A_1284 = arith.constant 2147483647 : i32
      %broadcast_in_dim3A_1285 = vector.broadcast %jit3A_1284 : i32 to vector<32x1024xi32>
      %select_n3A_1286 = arith.select %eq3A_1283, %get3A_1279, %broadcast_in_dim3A_1285 : vector<32x1024xi1>, vector<32x1024xi32>
      %reduce_min3A = arith.constant dense<2147483647> : vector<32xi32>
      %reduce_min3A_1287 = vector.multi_reduction <minsi>, %select_n3A_1286, %reduce_min3A [1] : vector<32x1024xi32> to vector<32xi32>
      %broadcast_in_dim3A_1288 = vector.shape_cast %reduce_min3A_1287 : vector<32xi32> to vector<32x1xi32>
      %eq3A_1289 = vector.broadcast %broadcast_in_dim3A_1288 : vector<32x1xi32> to vector<32x1024xi32>
      %eq3A_1290 = arith.cmpi eq, %get3A_1279, %eq3A_1289 : vector<32x1024xi32>
      %and3A = arith.andi %eq3A_1283, %eq3A_1290 : vector<32x1024xi1>
      %jit3A_1291 = arith.constant -1.000000e+30 : f32
      %broadcast_in_dim3A_1292 = vector.broadcast %jit3A_1291 : f32 to vector<32x1024xf32>
      %select_n3A_1293 = arith.select %and3A, %broadcast_in_dim3A_1292, %get3A_1276 : vector<32x1024xi1>, vector<32x1024xf32>
      %reduce_max3A_1294 = arith.constant dense<0xFF800000> : vector<32xf32>
      %reduce_max3A_1295 = vector.multi_reduction <maximumf>, %select_n3A_1293, %reduce_max3A_1294 [1] : vector<32x1024xf32> to vector<32xf32>
      %broadcast_in_dim3A_1296 = vector.shape_cast %reduce_max3A_1295 : vector<32xf32> to vector<32x1xf32>
      %eq3A_1297 = vector.broadcast %broadcast_in_dim3A_1296 : vector<32x1xf32> to vector<32x1024xf32>
      %eq3A_1298 = arith.cmpf oeq, %select_n3A_1293, %eq3A_1297 : vector<32x1024xf32>
      %jit3A_1299 = arith.constant 2147483647 : i32
      %broadcast_in_dim3A_1300 = vector.broadcast %jit3A_1299 : i32 to vector<32x1024xi32>
      %select_n3A_1301 = arith.select %eq3A_1298, %get3A_1279, %broadcast_in_dim3A_1300 : vector<32x1024xi1>, vector<32x1024xi32>
      %reduce_min3A_1302 = arith.constant dense<2147483647> : vector<32xi32>
      %reduce_min3A_1303 = vector.multi_reduction <minsi>, %select_n3A_1301, %reduce_min3A_1302 [1] : vector<32x1024xi32> to vector<32xi32>
      %broadcast_in_dim3A_1304 = vector.shape_cast %reduce_min3A_1303 : vector<32xi32> to vector<32x1xi32>
      %eq3A_1305 = vector.broadcast %broadcast_in_dim3A_1304 : vector<32x1xi32> to vector<32x1024xi32>
      %eq3A_1306 = arith.cmpi eq, %get3A_1279, %eq3A_1305 : vector<32x1024xi32>
      %and3A_1307 = arith.andi %eq3A_1298, %eq3A_1306 : vector<32x1024xi1>
      %jit3A_1308 = arith.constant -1.000000e+30 : f32
      %broadcast_in_dim3A_1309 = vector.broadcast %jit3A_1308 : f32 to vector<32x1024xf32>
      %select_n3A_1310 = arith.select %and3A_1307, %broadcast_in_dim3A_1309, %select_n3A_1293 : vector<32x1024xi1>, vector<32x1024xf32>
      %reduce_max3A_1311 = arith.constant dense<0xFF800000> : vector<32xf32>
      %reduce_max3A_1312 = vector.multi_reduction <maximumf>, %select_n3A_1310, %reduce_max3A_1311 [1] : vector<32x1024xf32> to vector<32xf32>
      %broadcast_in_dim3A_1313 = vector.shape_cast %reduce_max3A_1312 : vector<32xf32> to vector<32x1xf32>
      %eq3A_1314 = vector.broadcast %broadcast_in_dim3A_1313 : vector<32x1xf32> to vector<32x1024xf32>
      %eq3A_1315 = arith.cmpf oeq, %select_n3A_1310, %eq3A_1314 : vector<32x1024xf32>
      %jit3A_1316 = arith.constant 2147483647 : i32
      %broadcast_in_dim3A_1317 = vector.broadcast %jit3A_1316 : i32 to vector<32x1024xi32>
      %select_n3A_1318 = arith.select %eq3A_1315, %get3A_1279, %broadcast_in_dim3A_1317 : vector<32x1024xi1>, vector<32x1024xi32>
      %reduce_min3A_1319 = arith.constant dense<2147483647> : vector<32xi32>
      %reduce_min3A_1320 = vector.multi_reduction <minsi>, %select_n3A_1318, %reduce_min3A_1319 [1] : vector<32x1024xi32> to vector<32xi32>
      %broadcast_in_dim3A_1321 = vector.shape_cast %reduce_min3A_1320 : vector<32xi32> to vector<32x1xi32>
      %eq3A_1322 = vector.broadcast %broadcast_in_dim3A_1321 : vector<32x1xi32> to vector<32x1024xi32>
      %eq3A_1323 = arith.cmpi eq, %get3A_1279, %eq3A_1322 : vector<32x1024xi32>
      %and3A_1324 = arith.andi %eq3A_1315, %eq3A_1323 : vector<32x1024xi1>
      %jit3A_1325 = arith.constant -1.000000e+30 : f32
      %broadcast_in_dim3A_1326 = vector.broadcast %jit3A_1325 : f32 to vector<32x1024xf32>
      %select_n3A_1327 = arith.select %and3A_1324, %broadcast_in_dim3A_1326, %select_n3A_1310 : vector<32x1024xi1>, vector<32x1024xf32>
      %reduce_max3A_1328 = arith.constant dense<0xFF800000> : vector<32xf32>
      %reduce_max3A_1329 = vector.multi_reduction <maximumf>, %select_n3A_1327, %reduce_max3A_1328 [1] : vector<32x1024xf32> to vector<32xf32>
      %broadcast_in_dim3A_1330 = vector.shape_cast %reduce_max3A_1329 : vector<32xf32> to vector<32x1xf32>
      %eq3A_1331 = vector.broadcast %broadcast_in_dim3A_1330 : vector<32x1xf32> to vector<32x1024xf32>
      %eq3A_1332 = arith.cmpf oeq, %select_n3A_1327, %eq3A_1331 : vector<32x1024xf32>
      %jit3A_1333 = arith.constant 2147483647 : i32
      %broadcast_in_dim3A_1334 = vector.broadcast %jit3A_1333 : i32 to vector<32x1024xi32>
      %select_n3A_1335 = arith.select %eq3A_1332, %get3A_1279, %broadcast_in_dim3A_1334 : vector<32x1024xi1>, vector<32x1024xi32>
      %reduce_min3A_1336 = arith.constant dense<2147483647> : vector<32xi32>
      %reduce_min3A_1337 = vector.multi_reduction <minsi>, %select_n3A_1335, %reduce_min3A_1336 [1] : vector<32x1024xi32> to vector<32xi32>
      %broadcast_in_dim3A_1338 = vector.shape_cast %reduce_min3A_1337 : vector<32xi32> to vector<32x1xi32>
      %eq3A_1339 = vector.broadcast %broadcast_in_dim3A_1338 : vector<32x1xi32> to vector<32x1024xi32>
      %eq3A_1340 = arith.cmpi eq, %get3A_1279, %eq3A_1339 : vector<32x1024xi32>
      %and3A_1341 = arith.andi %eq3A_1332, %eq3A_1340 : vector<32x1024xi1>
      %jit3A_1342 = arith.constant -1.000000e+30 : f32
      %broadcast_in_dim3A_1343 = vector.broadcast %jit3A_1342 : f32 to vector<32x1024xf32>
      %select_n3A_1344 = arith.select %and3A_1341, %broadcast_in_dim3A_1343, %select_n3A_1327 : vector<32x1024xi1>, vector<32x1024xf32>
      %reduce_max3A_1345 = arith.constant dense<0xFF800000> : vector<32xf32>
      %reduce_max3A_1346 = vector.multi_reduction <maximumf>, %select_n3A_1344, %reduce_max3A_1345 [1] : vector<32x1024xf32> to vector<32xf32>
      %broadcast_in_dim3A_1347 = vector.shape_cast %reduce_max3A_1346 : vector<32xf32> to vector<32x1xf32>
      %eq3A_1348 = vector.broadcast %broadcast_in_dim3A_1347 : vector<32x1xf32> to vector<32x1024xf32>
      %eq3A_1349 = arith.cmpf oeq, %select_n3A_1344, %eq3A_1348 : vector<32x1024xf32>
      %jit3A_1350 = arith.constant 2147483647 : i32
      %broadcast_in_dim3A_1351 = vector.broadcast %jit3A_1350 : i32 to vector<32x1024xi32>
      %select_n3A_1352 = arith.select %eq3A_1349, %get3A_1279, %broadcast_in_dim3A_1351 : vector<32x1024xi1>, vector<32x1024xi32>
      %reduce_min3A_1353 = arith.constant dense<2147483647> : vector<32xi32>
      %reduce_min3A_1354 = vector.multi_reduction <minsi>, %select_n3A_1352, %reduce_min3A_1353 [1] : vector<32x1024xi32> to vector<32xi32>
      %broadcast_in_dim3A_1355 = vector.shape_cast %reduce_min3A_1354 : vector<32xi32> to vector<32x1xi32>
      %eq3A_1356 = vector.broadcast %broadcast_in_dim3A_1355 : vector<32x1xi32> to vector<32x1024xi32>
      %eq3A_1357 = arith.cmpi eq, %get3A_1279, %eq3A_1356 : vector<32x1024xi32>
      %and3A_1358 = arith.andi %eq3A_1349, %eq3A_1357 : vector<32x1024xi1>
      %jit3A_1359 = arith.constant -1.000000e+30 : f32
      %broadcast_in_dim3A_1360 = vector.broadcast %jit3A_1359 : f32 to vector<32x1024xf32>
      %select_n3A_1361 = arith.select %and3A_1358, %broadcast_in_dim3A_1360, %select_n3A_1344 : vector<32x1024xi1>, vector<32x1024xf32>
      %reduce_max3A_1362 = arith.constant dense<0xFF800000> : vector<32xf32>
      %reduce_max3A_1363 = vector.multi_reduction <maximumf>, %select_n3A_1361, %reduce_max3A_1362 [1] : vector<32x1024xf32> to vector<32xf32>
      %broadcast_in_dim3A_1364 = vector.shape_cast %reduce_max3A_1363 : vector<32xf32> to vector<32x1xf32>
      %eq3A_1365 = vector.broadcast %broadcast_in_dim3A_1364 : vector<32x1xf32> to vector<32x1024xf32>
      %eq3A_1366 = arith.cmpf oeq, %select_n3A_1361, %eq3A_1365 : vector<32x1024xf32>
      %jit3A_1367 = arith.constant 2147483647 : i32
      %broadcast_in_dim3A_1368 = vector.broadcast %jit3A_1367 : i32 to vector<32x1024xi32>
      %select_n3A_1369 = arith.select %eq3A_1366, %get3A_1279, %broadcast_in_dim3A_1368 : vector<32x1024xi1>, vector<32x1024xi32>
      %reduce_min3A_1370 = arith.constant dense<2147483647> : vector<32xi32>
      %reduce_min3A_1371 = vector.multi_reduction <minsi>, %select_n3A_1369, %reduce_min3A_1370 [1] : vector<32x1024xi32> to vector<32xi32>
      %broadcast_in_dim3A_1372 = vector.shape_cast %reduce_min3A_1371 : vector<32xi32> to vector<32x1xi32>
      %eq3A_1373 = vector.broadcast %broadcast_in_dim3A_1372 : vector<32x1xi32> to vector<32x1024xi32>
      %eq3A_1374 = arith.cmpi eq, %get3A_1279, %eq3A_1373 : vector<32x1024xi32>
      %and3A_1375 = arith.andi %eq3A_1366, %eq3A_1374 : vector<32x1024xi1>
      %jit3A_1376 = arith.constant -1.000000e+30 : f32
      %broadcast_in_dim3A_1377 = vector.broadcast %jit3A_1376 : f32 to vector<32x1024xf32>
      %select_n3A_1378 = arith.select %and3A_1375, %broadcast_in_dim3A_1377, %select_n3A_1361 : vector<32x1024xi1>, vector<32x1024xf32>
      %reduce_max3A_1379 = arith.constant dense<0xFF800000> : vector<32xf32>
      %reduce_max3A_1380 = vector.multi_reduction <maximumf>, %select_n3A_1378, %reduce_max3A_1379 [1] : vector<32x1024xf32> to vector<32xf32>
      %broadcast_in_dim3A_1381 = vector.shape_cast %reduce_max3A_1380 : vector<32xf32> to vector<32x1xf32>
      %eq3A_1382 = vector.broadcast %broadcast_in_dim3A_1381 : vector<32x1xf32> to vector<32x1024xf32>
      %eq3A_1383 = arith.cmpf oeq, %select_n3A_1378, %eq3A_1382 : vector<32x1024xf32>
      %jit3A_1384 = arith.constant 2147483647 : i32
      %broadcast_in_dim3A_1385 = vector.broadcast %jit3A_1384 : i32 to vector<32x1024xi32>
      %select_n3A_1386 = arith.select %eq3A_1383, %get3A_1279, %broadcast_in_dim3A_1385 : vector<32x1024xi1>, vector<32x1024xi32>
      %reduce_min3A_1387 = arith.constant dense<2147483647> : vector<32xi32>
      %reduce_min3A_1388 = vector.multi_reduction <minsi>, %select_n3A_1386, %reduce_min3A_1387 [1] : vector<32x1024xi32> to vector<32xi32>
      %broadcast_in_dim3A_1389 = vector.shape_cast %reduce_min3A_1388 : vector<32xi32> to vector<32x1xi32>
      %eq3A_1390 = vector.broadcast %broadcast_in_dim3A_1389 : vector<32x1xi32> to vector<32x1024xi32>
      %eq3A_1391 = arith.cmpi eq, %get3A_1279, %eq3A_1390 : vector<32x1024xi32>
      %and3A_1392 = arith.andi %eq3A_1383, %eq3A_1391 : vector<32x1024xi1>
      %jit3A_1393 = arith.constant -1.000000e+30 : f32
      %broadcast_in_dim3A_1394 = vector.broadcast %jit3A_1393 : f32 to vector<32x1024xf32>
      %select_n3A_1395 = arith.select %and3A_1392, %broadcast_in_dim3A_1394, %select_n3A_1378 : vector<32x1024xi1>, vector<32x1024xf32>
      %reduce_max3A_1396 = arith.constant dense<0xFF800000> : vector<32xf32>
      %reduce_max3A_1397 = vector.multi_reduction <maximumf>, %select_n3A_1395, %reduce_max3A_1396 [1] : vector<32x1024xf32> to vector<32xf32>
      %broadcast_in_dim3A_1398 = vector.shape_cast %reduce_max3A_1397 : vector<32xf32> to vector<32x1xf32>
      %eq3A_1399 = vector.broadcast %broadcast_in_dim3A_1398 : vector<32x1xf32> to vector<32x1024xf32>
      %eq3A_1400 = arith.cmpf oeq, %select_n3A_1395, %eq3A_1399 : vector<32x1024xf32>
      %jit3A_1401 = arith.constant 2147483647 : i32
      %broadcast_in_dim3A_1402 = vector.broadcast %jit3A_1401 : i32 to vector<32x1024xi32>
      %select_n3A_1403 = arith.select %eq3A_1400, %get3A_1279, %broadcast_in_dim3A_1402 : vector<32x1024xi1>, vector<32x1024xi32>
      %reduce_min3A_1404 = arith.constant dense<2147483647> : vector<32xi32>
      %reduce_min3A_1405 = vector.multi_reduction <minsi>, %select_n3A_1403, %reduce_min3A_1404 [1] : vector<32x1024xi32> to vector<32xi32>
      %broadcast_in_dim3A_1406 = vector.shape_cast %reduce_min3A_1405 : vector<32xi32> to vector<32x1xi32>
      %broadcast_in_dim3A_1407 = arith.constant -1.000000e+30 : f32
      %broadcast_in_dim3A_1408 = vector.broadcast %broadcast_in_dim3A_1407 : f32 to vector<32x8xf32>
      %concatenate3A = tpu.concatenate %broadcast_in_dim3A_1281, %broadcast_in_dim3A_1296, %broadcast_in_dim3A_1313, %broadcast_in_dim3A_1330, %broadcast_in_dim3A_1347, %broadcast_in_dim3A_1364, %broadcast_in_dim3A_1381, %broadcast_in_dim3A_1398, %broadcast_in_dim3A_1408 in 1 : vector<32x1xf32>, vector<32x1xf32>, vector<32x1xf32>, vector<32x1xf32>, vector<32x1xf32>, vector<32x1xf32>, vector<32x1xf32>, vector<32x1xf32>, vector<32x8xf32> -> vector<32x16xf32>
      %swap3A_1409 = arith.constant 0 : index
      %swap3A_1410 = arith.constant 0 : index
      %swap3A_1411 = vector.load %arg4[%swap3A_1409, %swap3A_1410] : memref<32x16xf32, #tpu.memory_space<vmem>>, vector<32x16xf32>
      tpu.vector_store %arg4[%swap3A_1409, %swap3A_1410], %concatenate3A {strides = array<i32>} : memref<32x16xf32, #tpu.memory_space<vmem>>, vector<32x16xf32>,
      %broadcast_in_dim3A_1412 = arith.constant 0 : i32
      %broadcast_in_dim3A_1413 = vector.broadcast %broadcast_in_dim3A_1412 : i32 to vector<32x8xi32>
      %concatenate3A_1414 = tpu.concatenate %broadcast_in_dim3A_1288, %broadcast_in_dim3A_1304, %broadcast_in_dim3A_1321, %broadcast_in_dim3A_1338, %broadcast_in_dim3A_1355, %broadcast_in_dim3A_1372, %broadcast_in_dim3A_1389, %broadcast_in_dim3A_1406, %broadcast_in_dim3A_1413 in 1 : vector<32x1xi32>, vector<32x1xi32>, vector<32x1xi32>, vector<32x1xi32>, vector<32x1xi32>, vector<32x1xi32>, vector<32x1xi32>, vector<32x1xi32>, vector<32x8xi32> -> vector<32x16xi32>
      %swap3A_1415 = arith.constant 0 : index
      %swap3A_1416 = arith.constant 0 : index
      %swap3A_1417 = vector.load %arg5[%swap3A_1415, %swap3A_1416] : memref<32x16xi32, #tpu.memory_space<vmem>>, vector<32x16xi32>
      tpu.vector_store %arg5[%swap3A_1415, %swap3A_1416], %concatenate3A_1414 {strides = array<i32>} : memref<32x16xi32, #tpu.memory_space<vmem>>, vector<32x16xi32>,
    } else {
    }
    return
  }
  func.func @transform_0(%arg0: i32) -> (i32, i32) {
    %c0_i32 = arith.constant 0 : i32
    %c0_i32_0 = arith.constant 0 : i32
    %c0_i32_1 = arith.constant 0 : i32
    return %c0_i32, %c0_i32_0 : i32, i32
  }
  func.func @transform_1(%arg0: i32) -> (i32, i32) {
    %c0_i32 = arith.constant 0 : i32
    %c0_i32_0 = arith.constant 0 : i32
    %c0_i32_1 = arith.constant 0 : i32
    return %c0_i32, %c0_i32_0 : i32, i32
  }
  func.func @transform_2(%arg0: i32) -> (i32, i32) {
    %c0_i32 = arith.constant 0 : i32
    %c0_i32_0 = arith.constant 0 : i32
    return %arg0, %c0_i32 : i32, i32
  }
  func.func @transform_3(%arg0: i32) -> (i32, i32) {
    %c0_i32 = arith.constant 0 : i32
    %c0_i32_0 = arith.constant 0 : i32
    %c0_i32_1 = arith.constant 0 : i32
    return %c0_i32, %c0_i32_0 : i32, i32
  }
  func.func @transform_4(%arg0: i32) -> (i32, i32) {
    %c0_i32 = arith.constant 0 : i32
    %c0_i32_0 = arith.constant 0 : i32
    %c0_i32_1 = arith.constant 0 : i32
    return %c0_i32, %c0_i32_0 : i32, i32
  }
}

</mosaic_0001>

<sc_bundles>
// kernel: kernel.5.cloned.1.call-start
scs
__scs_entry_jumppad:
0x0: {  	(pc) =	sbr.rel $0x88, $3  }
0x1: {  	(tag) =	ssettag $0x0;
	lr =	simm.s32 $0x1  }
0x2: {  	[smem:$0x3F9C] =	sst lr;
	_ =	strace $0xD0000000  }
0x3: {  	_ = 	snop  }
0x4: {  	_ = 	snop  }
0x5: {  	_ = 	snop  }
0x6: {  	_ = 	snop  }
0x7: {  	_ = 	snop  }
__scs_overlays_trampoline_lowered:
0x8: {  	[smem:$0x3FAB] =	sst s0  }
0x9: {  	[smem:$0x3FAC] =	sst s1  }
0xa: {  	[smem:$0x3FAD] =	sst s2  }
0xb: {  	[smem:$0x3FAE] =	sst s3  }
0xc: {  	[smem:$0x3FAF] =	sst s4  }
0xd: {  	[smem:$0x3FB0] =	sst s5  }
0xe: {  	[smem:$0x3FB1] =	sst s6  }
0xf: {  	[smem:$0x3FB2] =	sst s7  }
0x10: {  	[smem:$0x3FB3] =	sst s8  }
0x11: {  	[smem:$0x3FB4] =	sst s9;
	s0 =	simm.s32 @!p0 $0x0  }
0x12: {  	s1 =	sld [smem:$0x3F9A];
	s0 =	simm.s32 @p0 $0x1  }
0x13: {  	[smem:$0x3FB5] =	sst s0;
	s0 =	simm.s32 @!p1 $0x0  }
0x14: {  	s2 =	sld [smem:$0x3F99];
	s0 =	simm.s32 @p1 $0x1  }
0x15: {  	[smem:$0x3FB6] =	sst s0;
	s0 =	simm.s32 @!p2 $0x0  }
0x16: {  	s3 =	sld [smem:$0x3FDB];
	s0 =	simm.s32 @p2 $0x1  }
0x17: {  	s4 =	simm.s32 $0x1BF5;
	[smem:$0x3FB8] =	sst s0  }
0x18: {  	s0 =	sld [smem:$0x3F9B];
	_ =	swait.ge [sflag:s4], $0x0  }
0x19: {  	s7 =	sld [smem:$0x3F9C]  }
0x1a: {  	s8 =	sadd.s32 $0xFFFFE003, lr  }
0x1b: {  	s9 =	sadd.s32 $0xFFFFFEF7, lr;
	s5 =	simm.s32 $0xFFFFFFFF;
	p2 =	slt.u32 s8, $0xFFFFF086  }
0x1c: {  	p1 =	slt.u32 s9, $0xF7A;
	s5 =	simm.s32 @!p2 $0x0  }
0x1d: {  	s5 =	simm.s32 @p1 $0x1;
	p0 =	seq.s32 s7, s2  }
0x1e: {  	s7 =	smul.u32 @!p0 $0xF7A, s2;
	p2 =	seq.s32 @!p0 s5, $0x0  }
0x1f: {  	s9 =	smul.u32 $0xF7A, s1;
	s8 =	simm.s32 @!p0 $0x1BF5;
	p2 =	por !p2, p0  }
0x20: {  	[sflag:s8] =	ssyncset.s32 @!p0 $0xFFFFF086;
	s6 =	sadd.s32 @!p0 s3, s7;
	s7 =	simm.s32 @!p0 $0x108  }
0x21: {  	s3 =	sadd.s32 s3, s9;
	s6 =	sadd.s32 @!p0 $0x88, s6;
	s7 =	simm.s32 @p2 $0x1082  }
0x22: {  	[simem:s7], [sflag:s8] =	dma.local @!p0 [hbm:s6], $0xF7A  }
0x23: {  	s9 =	sor.u32 $0xD0000000, s2;
	s6 =	simm.s32 $0x108;
	_ =	swait.ge @!p0 [sflag:s8], $0x0  }
0x24: {  	s3 =	sadd.s32 $0x88, s3;
	s6 =	simm.s32 @!p1 $0x1082;
	[sflag:s4] =	ssyncset.s32 $0xFFFFF086  }
0x25: {  	[simem:s6], [sflag:s4] =	dma.local [hbm:s3], $0xF7A  }
0x26: {  	[smem:$0x3F9C] =	sst s1;
	(tag) =	ssettag s2;
	_ =	strace s9  }
0x27: {  	s1 =	sld [smem:$0x3FAC]  }
0x28: {  	s2 =	sld [smem:$0x3FAD]  }
0x29: {  	s4 =	sld [smem:$0x3FAF]  }
0x2a: {  	p0 =	seq.s32 s5, $0x0;
	s5 =	sld [smem:$0x3FB0]  }
0x2b: {  	s6 =	sld [smem:$0x3FB1]  }
0x2c: {  	s7 =	sld [smem:$0x3FB2]  }
0x2d: {  	s3 =	simm.s32 $0x108;
	s8 =	sld [smem:$0x3FB3]  }
0x2e: {  	s3 =	simm.s32 @!p0 $0x1082;
	s9 =	sld [smem:$0x3FB4]  }
0x2f: {  	lr =	sadd.s32 s0, s3;
	s0 =	sld [smem:$0x3FAB]  }
0x30: {  	s3 =	sld [smem:$0x3FAE]  }
0x31: {  	[smem:$0x3FB7] =	sst s10  }
0x32: {  	s10 =	sld [smem:$0x3FB5];
	_ =	sdelay $0x3  }
0x33: {  	p0 =	seq.s32 s10, $0x1;
	s10 =	sld [smem:$0x3FB7];
	_ =	sdelay $0x3  }
0x34: {  	[smem:$0x3FB7] =	sst s10  }
0x35: {  	s10 =	sld [smem:$0x3FB6];
	_ =	sdelay $0x3  }
0x36: {  	p1 =	seq.s32 s10, $0x1;
	s10 =	sld [smem:$0x3FB7];
	_ =	sdelay $0x3  }
0x37: {  	[smem:$0x3FB7] =	sst s10  }
0x38: {  	s10 =	sld [smem:$0x3FB8]  }
0x39: {  	_ = 	snop;
	(pc) =	sbr.ind lr, $3  }
0x3a: {  	_ = 	snop  }
0x3b: {  	_ = 	snop  }
0x3c: {  	p2 =	seq.s32 s10, $0x1;
	s10 =	sld [smem:$0x3FB7]  }
0x3d: {  	_ =	shalt  }
0x3e: {  	_ =	shalt  }
0x3f: {  	_ =	shalt  }
0x40: {  	_ =	shalt  }
0x41: {  	_ =	shalt  }
0x42: {  	_ =	shalt  }
0x43: {  	_ =	shalt  }
0x44: {  	_ =	shalt  }
0x45: {  	_ =	shalt  }
0x46: {  	_ =	shalt  }
0x47: {  	_ =	shalt  }
0x48: {  	_ =	shalt  }
0x49: {  	_ =	shalt  }
0x4a: {  	_ =	shalt  }
0x4b: {  	_ =	shalt  }
0x4c: {  	_ =	shalt  }
0x4d: {  	_ =	shalt  }
0x4e: {  	_ =	shalt  }
0x4f: {  	_ =	shalt  }
0x50: {  	_ =	shalt  }
0x51: {  	_ =	shalt  }
0x52: {  	_ =	shalt  }
0x53: {  	_ =	shalt  }
0x54: {  	_ =	shalt  }
0x55: {  	_ =	shalt  }
0x56: {  	_ =	shalt  }
0x57: {  	_ =	shalt  }
0x58: {  	_ =	shalt  }
0x59: {  	_ =	shalt  }
0x5a: {  	_ =	shalt  }
0x5b: {  	_ =	shalt  }
0x5c: {  	_ =	shalt  }
0x5d: {  	_ =	shalt  }
0x5e: {  	_ =	shalt  }
0x5f: {  	_ =	shalt  }
0x60: {  	_ =	shalt  }
0x61: {  	_ =	shalt  }
0x62: {  	_ =	shalt  }
0x63: {  	_ =	shalt  }
0x64: {  	_ =	shalt  }
0x65: {  	_ =	shalt  }
0x66: {  	_ =	shalt  }
0x67: {  	_ =	shalt  }
0x68: {  	_ =	shalt  }
0x69: {  	_ =	shalt  }
0x6a: {  	_ =	shalt  }
0x6b: {  	_ =	shalt  }
0x6c: {  	_ =	shalt  }
0x6d: {  	_ =	shalt  }
0x6e: {  	_ =	shalt  }
0x6f: {  	_ =	shalt  }
0x70: {  	_ =	shalt  }
0x71: {  	_ =	shalt  }
0x72: {  	_ =	shalt  }
0x73: {  	_ =	shalt  }
0x74: {  	_ =	shalt  }
0x75: {  	_ =	shalt  }
0x76: {  	_ =	shalt  }
0x77: {  	_ =	shalt  }
0x78: {  	_ =	shalt  }
0x79: {  	_ =	shalt  }
0x7a: {  	_ =	shalt  }
0x7b: {  	_ =	shalt  }
0x7c: {  	_ =	shalt  }
0x7d: {  	_ =	shalt  }
0x7e: {  	_ =	shalt  }
0x7f: {  	_ =	shalt  }
0x80: {  	_ =	shalt  }
0x81: {  	_ =	shalt  }
0x82: {  	_ =	shalt  }
0x83: {  	_ =	shalt  }
0x84: {  	_ =	shalt  }
0x85: {  	_ =	shalt  }
0x86: {  	_ =	shalt  }
0x87: {  	_ =	shalt  }
.Lfunc_end0:
.L_simem_size_0:
called_computation_lowered:
.L_overlay_start_0:
0x88: {  	s2 =	sld [smem:$0x3FD9]  }
0x89: {  	s3 =	sld [smem:$0x3FFE];
	_ =	sdelay $0x1  }
0x8a: {  	s1 =	srdreg.scid  }
0x8b: {  	s0 =	sand.u32 $0x1, s1  }
0x8c: {  	s17 =	sshll.u32 s0, $0xA;
	s2 =	sadd.s32 s3, s2  }
0x8d: {  	s2 =	sadd.s32 s2, s17  }
0x8e: {  	[smem:$0x3FC3] =	sst s2  }
0x8f: {  	_ = 	snop  }
0x90: {  	s2 =	sld [smem:$0x3FC7]  }
0x91: {  	s18 =	sld [smem:$0x3FD0];
	(tm) =	ssettm $0x1  }
0x92: {  	s4 =	sld [smem:$0x3FFB];
	_ =	sdelay $0x3  }
0x93: {  	_ =	strace s4  }
0x94: {  	s4 =	sld [smem:$0x3FFC];
	_ =	sdelay $0x3  }
0x95: {  	_ =	strace s4  }
0x96: {  	s4 =	sld [smem:$0x3FFD];
	_ =	sdelay $0x3  }
0x97: {  	_ =	strace s4  }
0x98: {  	_ =	strace $0x8FFFFFFF  }
0x99: {  	s19 =	sld [smem:$0x3FDB];
	_ =	sdelay $0x1  }
0x9a: {  	s5 =	simm.s32 $_scs_section_size  }
0x9b: {  	s6 =	simm.s32 $_size__tile_overlayer_lowered;
	s7 =	simm.s32 $_tile_overlayer_lowered  }
0x9c: {  	s22 =	simm.s32 $0x1BFF;
	s21 =	sshll.u32 s7, $0x1;
	s4 =	sadd.s32 s5, s19  }
0x9d: {  	s8 =	simm.s32 $0x0;
	s20 =	sshll.u32 s6, $0x1;
	s6 =	sadd.s32 s21, s4  }
0x9e: {  	[timem:s8], [sflag:s22] =	dma.local [hbm:s6], s20  }
0x9f: {  	_ =	swait.ge [sflag:s22], s20  }
0xa0: {  	s5 =	ssub.s32 $0x0, s20;
	[sflag:s22] =	ssyncset.done $0x0  }
0xa1: {  	[sflag:s22] =	ssyncadd.s32 s5;
	_ =	sdelay $0x1  }
0xa2: {  	s23 =	simm.s32 $0x1B8B  }
0xa3: {  	_ =	swait.ge [sflag:s23], $0x1  }
0xa4: {  	[sflag:s23] =	ssyncset.done $0x0  }
0xa5: {  	s25 =	simm.s32 $0x1B8E;
	s24 =	sld [smem:$0x3FFE];
	[sflag:s23] =	ssyncadd.s32 $0xFFFFFFFF  }
0xa6: {  	s26 =	simm.s32 $execute0_lowered;
	[smem:$0x3FD2] =	sst s25  }
0xa7: {  	s6 =	sshll.u32 s26, $0x1;
	_ =	strace $0x80000046;
	[dreg:$0x1] =	wrdreg $0xFFFFFFFF  }
0xa8: {  	s28 =	simm.s32 $_size_execute0_lowered;
	s4 =	sadd.s32 s4, s6;
	[dreg:$0x0] =	wrdreg $0x0  }
0xa9: {  	s6 =	sshll.u32 s28, $0x1;
	[dreg:$0x2] =	wrdreg s4  }
0xaa: {  	[dreg:$0x3] =	wrdreg s6  }
0xab: {  	[dreg:$0x4] =	wrdreg $0xC0  }
0xac: {  	_ =	task [dreg:s8], $0x5FFFF  }
0xad: {  	[dreg:$0x1] =	wrdreg $0xFFFFFFFF  }
0xae: {  	[dreg:$0x0] =	wrdreg $0x60  }
0xaf: {  	[dreg:$0x2] =	wrdreg s24  }
0xb0: {  	[dreg:$0x3] =	wrdreg s2  }
0xb1: {  	[dreg:$0x4] =	wrdreg s18  }
0xb2: {  	[dreg:$0x5] =	wrdreg $0x9  }
0xb3: {  	_ =	task.clear_ibuf [dreg:s8], $0x6FFFF;
	_ =	strace $0x90000046  }
0xb4: {  	s29 =	simm.s32 $0x9;
	_ =	strace $0x80000048  }
0xb5: {  	_ =	swait.ge [sflag:s29], $0x1  }
0xb6: {  	[sflag:s29] =	ssyncadd.s32 $0xFFFFFFFF  }
0xb7: {  	_ =	strace $0x90000048  }
0xb8: {  	_ =	sfence  }
0xb9: {  	s30 =	sld [smem:$0x0];
	_ =	sdelay $0x2  }
0xba: {  	s31 =	sshll.u32 s1, $0xD;
	s1 =	sshrl.u32 s1, $0x2  }
0xbb: {  	s3 =	sand.u32 $0x4000, s31;
	s1 =	sadd.s32 s1, s30  }
0xbc: {  	s0 =	sor.u32 s3, s0;
	s1 =	sshll.u32 s1, $0x11  }
0xbd: {  	s0 =	sor.u32 s1, s0  }
0xbe: {  	s0 =	sadd.s32 $0x8F2B, s0  }
0xbf: {  	[sflag:s0] =	ssyncadd.remote.s32 $0x1  }
0xc0: {  	_ =	sfence.sel $0xFFFF  }
0xc1: {  	[dreg:$0x0] =	wrdreg $0xFFFFFFFF;
	(pc) =	sbr.abs _section_cstart, $3  }
0xc2: {  	[dreg:$0x1] =	wrdreg $0xFFFFFFFF  }
0xc3: {  	_ =	task.clear_ibuf [dreg:s8], $0x2FFFF;
	_ =	strace $0x9FFFFFFF  }
0xc4: {  	(tm) =	ssettm $0x7FFFFFFF  }
0xc5: {  	_ =	shalt  }
tec
execute0_lowered:
.L_overlay_start_1:
0x0: {  	(tag) =	ssettag $0x1  }
0x1: {  	s4 =	rddreg [dreg:$0x0]  }
0x2: {  	s2 =	rddreg [dreg:$0x1]  }
0x3: {  	s9 =	rddreg [dreg:$0x2];
	s3 =	srdreg.scid  }
0x4: {  	s0 =	stileid.u32;
	v0 =	vimm.s32 $0xEFCDAB89;
	v1 =	vimm.s32 $0x67452301;
	s1 =	rddreg [dreg:$0x3];
	s12 =	simm.s32 $0x80  }
0x5: {  	v2 =	vimm.s32 $0xDCFE98BA;
	s13 =	simm.s32 $0x100;
	s14 =	simm.s32 $0x900;
	s15 =	simm.s32 $0x1100;
	v0 =	vunpack.c.l.s4.s8 v0;
	v1 =	vunpack.c.l.s4.s8 v1  }
0x6: {  	v3 =	vimm.s32 $0x54761032;
	v4 =	vimm.s32 $0xBA98FEDC;
	s16 =	simm.s32 $0x1900;
	s17 =	simm.s32 $0x1;
	s18 =	simm.s32 $0x2500  }
0x7: {  	s19 =	simm.s32 $0x400;
	s20 =	simm.s32 $0x2100;
	s21 =	simm.s32 $0x0;
	v2 =	vunpack.c.l.s4.s8 v2;
	v0 =	vunpack.c.0.s8.s32 v0;
	v1 =	vunpack.c.0.s8.s32 v1  }
0x8: {  	v5 =	vimm.s32 $0x32107654;
	s5 =	sand.u32 $0x1, s3;
	s29 =	sshll.u32 s0, $0x8;
	s6 =	sshrl.u32 s0, $0x2;
	v3 =	vunpack.c.l.s4.s8 v3;
	v4 =	vunpack.c.l.s4.s8 v4  }
0x9: {  	s3 =	simm.s32 $0x0;
	s7 =	sshll.u32 s5, $0x7;
	s8 =	sand.u32 $0x300, s29;
	v6 =	vcombine.low v1, v0;
	v0 =	vunpack.c.0.s8.s32 v2;
	v1 =	vunpack.c.l.s4.s8 v5  }
0xa: {  	s30 =	sshll.u32 s6, $0xA;
	[smem:$0x7FF] =	sst s3;
	s5 =	ssub.s32 $0x2, s5;
	v2 =	vunpack.c.0.s8.s32 v3;
	v3 =	vunpack.c.0.s8.s32 v4;
	v4 =	vimm.s32 $0xFEDCBA98  }
0xb: {  	s6 =	sshll.u32 s6, $0xD;
	s7 =	sor.u32 s7, s8;
	s31 =	sshrl.u32 s5, $0x1;
	v5 =	vimm.s32 $0x76543210;
	v4 =	vunpack.c.l.s4.s8 v4;
	v1 =	vunpack.c.0.s8.s32 v1  }
0xc: {  	vm0 =	vmmov $0xffff;
	_ =	strace $0x80000047;
	s8 =	sor.u32 s30, s7;
	s10 =	ssub.s32 s5, s31;
	v7 =	vcombine.low v2, v0;
	v2 =	vunpack.c.l.s4.s8 v5  }
0xd: {  	s7 =	sor.u32 s6, s7;
	s6 =	sadd.s32 $0x100, s2;
	s8 =	sshrl.u32 s8, $0x3;
	v0 =	vlaneseq.u32;
	v5 =	vcombine.low v1, v3;
	v3 =	vunpack.c.0.s8.s32 v4  }
0xe: {  	s11 =	sshrl.u32 s7, $0x3;
	s7 =	sadd.s32 $0x200, s2;
	s10 =	smax.u32 s10, $0x1;
	v1 =	vshrl.u32 v0, $0x3;
	v0 =	vand.u32 $0x7, v0;
	v8 =	vunpack.c.0.s8.s32 v2  }
0xf: {  	s8 =	sadd.s32 s8, s4;
	s9 =	sadd.s32 s9, s11;
	s11 =	simm.s32 $0x2;
	v2 =	vand.u32 $0xF, v6;
	v1 =	vmul.u32 $0x8, v1;
	v6 =	vand.u32 $0xF, v3  }
0x10: {  	s4 =	sadd.s32 $0xA00, s8;
	s5 =	sadd.s32 $0xC00, s8;
	s8 =	sadd.s32 $0x300, s2;
	v3 =	vand.u32 $0xF, v7;
	v4 =	vand.u32 $0xF, v5;
	v5 =	vcombine.low v6, v8  }
.LBB2_1:
0x11: {  	[tilespmem:s3], [sflag:$0x2] =	stream.linear.gather [hbm4b:s4+s3], $0x80, $0x38;
	[tilespmem:$0x2580] =	vst v63  }
0x12: {  	_ =	swait.ge [sflag:s11], $0x80  }
0x13: {  	[sflag:s11] =	ssyncset.done $0x0  }
0x14: {  	[sflag:s11] =	ssyncadd.s32 $0xFFFFFF80  }
0x15: {  	[tilespmem:s12], [sflag:$0x2] =	stream.linear.gather [hbm4b:s5+s3], $0x8, $0x38;
	[tilespmem:$0x2580] =	vst v63  }
0x16: {  	_ =	swait.ge [sflag:s11], $0x8  }
0x17: {  	[sflag:s11] =	ssyncset.done $0x0  }
0x18: {  	[sflag:s11] =	ssyncadd.s32 $0xFFFFFFF8  }
0x19: {  	v6 =	vld.msk [tilespmem:$0x80], $0xff;
	_ =	sdelay $0x4  }
0x1a: {  	v7 =	vshll.u32 v6, $0x3  }
0x1b: {  	v6 =	vand.u32 $0x7, v6;
	v7 =	vand.u32 $0xFFFFFFC0, v7  }
0x1c: {  	v6 =	vor.u32 v6, v7  }
0x1d: {  	v6 =	vperm.xlane v6, v0;
	_ =	sdelay $0x1  }
0x1e: {  	v6 =	vadd.s32 v1, v6;
	_ =	sdelay $0x4  }
0x1f: {  	[tilespmem:s13], [sflag:$0x1] =	stream.indirect_vreg.gather [hbm4b:s2+s3], $0x80, v6, vm0, $0xb8;
	[tilespmem:$0x2580] =	vst v63  }
0x20: {  	_ = 	snop  }
0x21: {  	[tilespmem:s14], [sflag:$0x1] =	stream.indirect_vreg.gather [hbm4b:s6+s3], $0x80, v6, vm0, $0xb8;
	[tilespmem:$0x2580] =	vst v63  }
0x22: {  	_ = 	snop  }
0x23: {  	[tilespmem:s15], [sflag:$0x1] =	stream.indirect_vreg.gather [hbm4b:s7+s3], $0x80, v6, vm0, $0xb8;
	[tilespmem:$0x2580] =	vst v63  }
0x24: {  	_ = 	snop  }
0x25: {  	[tilespmem:s16], [sflag:$0x1] =	stream.indirect_vreg.gather [hbm4b:s8+s3], $0x80, v6, vm0, $0xb8;
	[tilespmem:$0x2580] =	vst v63  }
0x26: {  	_ =	swait.ge [sflag:s17], $0x2000  }
0x27: {  	[sflag:s17] =	ssyncset.done $0x0  }
0x28: {  	[sflag:s17] =	ssyncadd.s32 $0xFFFFE000  }
0x29: {  	v6 =	vld [tilespmem:$0x0];
	_ =	sdelay $0x4  }
0x2a: {  	[tilespmem:$0x2500] =	vst v6  }
0x2b: {  	v7 =	vld.idx.msk [tilespmem:v2+s18+$0x0], $0xffff;
	_ =	sdelay $0x4  }
0x2c: {  	v7 =	vmax.f32 v6, v7  }
0x2d: {  	[tilespmem:$0x2500] =	vst v7  }
0x2e: {  	v8 =	vld.idx.msk [tilespmem:v3+s18+$0x0], $0xffff;
	_ =	sdelay $0x4  }
0x2f: {  	v7 =	vmax.f32 v7, v8  }
0x30: {  	[tilespmem:$0x2500] =	vst v7  }
0x31: {  	v8 =	vld.idx.msk [tilespmem:v4+s18+$0x0], $0xffff;
	_ =	sdelay $0x4  }
0x32: {  	v7 =	vmax.f32 v7, v8  }
0x33: {  	[tilespmem:$0x2500] =	vst v7  }
0x34: {  	v8 =	vld.idx.msk [tilespmem:v5+s18+$0x0], $0xffff;
	_ =	sdelay $0x4  }
0x35: {  	v7 =	vmax.f32 v7, v8  }
0x36: {  	v6 =	vsub.f32 v6, v7;
	_ =	sdelay $0x1  }
0x37: {  	v6 =	vmul.f32 $1.442695020e+00, v6;
	_ =	sdelay $0x1  }
0x38: {  	(erf) = vpow2.f32 v6;
	_ =	sdelay $0x8  }
0x39: {  	v6 =	vpop (erf)  }
0x3a: {  	[tilespmem:$0x2500] =	vst v6  }
0x3b: {  	v7 =	vld.idx.msk [tilespmem:v2+s18+$0x0], $0xffff;
	_ =	sdelay $0x4  }
0x3c: {  	v7 =	vadd.f32 v6, v7;
	_ =	sdelay $0x1  }
0x3d: {  	[tilespmem:$0x2500] =	vst v7  }
0x3e: {  	v8 =	vld.idx.msk [tilespmem:v3+s18+$0x0], $0xffff;
	_ =	sdelay $0x4  }
0x3f: {  	v7 =	vadd.f32 v7, v8;
	_ =	sdelay $0x1  }
0x40: {  	[tilespmem:$0x2500] =	vst v7  }
0x41: {  	v8 =	vld.idx.msk [tilespmem:v4+s18+$0x0], $0xffff;
	_ =	sdelay $0x4  }
0x42: {  	v7 =	vadd.f32 v8, v7;
	_ =	sdelay $0x1  }
0x43: {  	[tilespmem:$0x2500] =	vst v7  }
0x44: {  	v8 =	vld.idx.msk [tilespmem:v5+s18+$0x0], $0xffff;
	_ =	sdelay $0x4  }
0x45: {  	v7 =	vadd.f32 v8, v7;
	_ =	sdelay $0x1  }
0x46: {  	(erf) = vrcp.f32 v7;
	_ =	sdelay $0x6  }
0x47: {  	s22 =	sand.u32 $0x70, s3;
	s23 =	sand.u32 $0x1C00, s3  }
0x48: {  	s22 =	sor.u32 s22, s23  }
0x49: {  	v9 =	vld [tilespmem:s22+$0x100];
	v7 =	vpop (erf)  }
0x4a: {  	v13 =	vmul.f32 v7, v6  }
0x4b: {  	v10 =	vld [tilespmem:s22+$0x180]  }
0x4c: {  	v8 =	vbroadcast v13, $0x0  }
0x4d: {  	v11 =	vld [tilespmem:s22+$0x200]  }
0x4e: {  	v6 =	vbroadcast v13, $0x1;
	v9 =	vmul.f32 v9, v8  }
0x4f: {  	v12 =	vld [tilespmem:s22+$0x280]  }
0x50: {  	v7 =	vbroadcast v13, $0x2;
	v10 =	vmul.f32 v10, v6;
	v14 =	vadd.f32 $0.0e+00, v9  }
0x51: {  	v15 =	vld [tilespmem:s22+$0x300]  }
0x52: {  	v11 =	vmul.f32 v11, v7;
	v9 =	vbroadcast v13, $0x3;
	v14 =	vadd.f32 v10, v14  }
0x53: {  	v16 =	vld [tilespmem:s22+$0x380]  }
0x54: {  	v10 =	vbroadcast v13, $0x4;
	v12 =	vmul.f32 v12, v9;
	v14 =	vadd.f32 v11, v14  }
0x55: {  	v17 =	vld [tilespmem:s22+$0x400]  }
0x56: {  	v11 =	vbroadcast v13, $0x5;
	v15 =	vmul.f32 v15, v10;
	v14 =	vadd.f32 v12, v14  }
0x57: {  	v18 =	vld [tilespmem:s22+$0x480]  }
0x58: {  	v12 =	vbroadcast v13, $0x6;
	v14 =	vadd.f32 v15, v14;
	v15 =	vmul.f32 v16, v11;
	_ =	sdelay $0x1  }
0x59: {  	v13 =	vbroadcast v13, $0x7;
	v14 =	vadd.f32 v15, v14;
	v15 =	vmul.f32 v17, v12;
	_ =	sdelay $0x1  }
0x5a: {  	v14 =	vadd.f32 v15, v14;
	v15 =	vmul.f32 v18, v13;
	_ =	sdelay $0x1  }
0x5b: {  	s31 =	simm.s32 $0x10;
	s24 =	simm.s32 $0x20;
	s23 =	simm.s32 $0x80;
	v14 =	vadd.f32 v15, v14  }
0x5c: {  	s25 =	sand.u32 $0x70, s31;
	s26 =	sand.u32 $0x1C00, s23;
	s22 =	simm.s32 $0x2100  }
.LBB2_2:
0x5d: {  	p0 =	sne.s32 s24, $0x3F0;
	s25 =	sor.u32 s25, s26;
	[tilespmem:s22+$0x0] =	vst v14  }
0x5e: {  	v14 =	vld [tilespmem:s25+$0x100];
	_ =	sdelay $0x1  }
0x5f: {  	v15 =	vld [tilespmem:s25+$0x180];
	_ =	sdelay $0x1  }
0x60: {  	v16 =	vld [tilespmem:s25+$0x200]  }
0x61: {  	v14 =	vmul.f32 v14, v8  }
0x62: {  	v17 =	vld [tilespmem:s25+$0x280]  }
0x63: {  	v14 =	vadd.f32 $0.0e+00, v14;
	v15 =	vmul.f32 v15, v6  }
0x64: {  	v18 =	vld [tilespmem:s25+$0x300]  }
0x65: {  	v14 =	vadd.f32 v15, v14;
	v15 =	vmul.f32 v16, v7  }
0x66: {  	v16 =	vld [tilespmem:s25+$0x380]  }
0x67: {  	v14 =	vadd.f32 v15, v14;
	v15 =	vmul.f32 v17, v9  }
0x68: {  	v17 =	vld [tilespmem:s25+$0x400]  }
0x69: {  	v14 =	vadd.f32 v15, v14;
	v15 =	vmul.f32 v18, v10  }
0x6a: {  	v18 =	vld [tilespmem:s25+$0x480]  }
0x6b: {  	v14 =	vadd.f32 v15, v14;
	v15 =	vmul.f32 v16, v11;
	_ =	sdelay $0x1  }
0x6c: {  	v14 =	vadd.f32 v15, v14;
	v15 =	vmul.f32 v17, v12  }
.Ltmp0:
0x6d: {  	(pc) =	sbr.rel @p0 .LBB2_2-.Ltmp0, $3  }
0x6e: {  	v14 =	vadd.f32 v15, v14;
	v15 =	vmul.f32 v18, v13;
	_ =	sdelay $0x1  }
0x6f: {  	s23 =	sadd.s32 $0x80, s23;
	s22 =	sadd.s32 $0x10, s22;
	v14 =	vadd.f32 v15, v14  }
0x70: {  	s26 =	sand.u32 $0x1C00, s23;
	s25 =	sand.u32 $0x70, s24;
	s24 =	sadd.s32 $0x10, s24  }
0x71: {  	s23 =	sor.u32 s25, s26;
	[tilespmem:s22+$0x0] =	vst v14  }
0x72: {  	v14 =	vld [tilespmem:s23+$0x100];
	_ =	sdelay $0x1  }
0x73: {  	v15 =	vld [tilespmem:s23+$0x180];
	_ =	sdelay $0x1  }
0x74: {  	v16 =	vld [tilespmem:s23+$0x200]  }
0x75: {  	v8 =	vmul.f32 v14, v8  }
0x76: {  	v59 =	vld [tilespmem:s23+$0x280]  }
0x77: {  	v6 =	vmul.f32 v15, v6;
	v8 =	vadd.f32 $0.0e+00, v8  }
0x78: {  	v60 =	vld [tilespmem:s23+$0x300]  }
0x79: {  	v7 =	vmul.f32 v16, v7;
	v6 =	vadd.f32 v6, v8  }
0x7a: {  	v61 =	vld [tilespmem:s23+$0x380]  }
0x7b: {  	v6 =	vadd.f32 v7, v6;
	v7 =	vmul.f32 v59, v9  }
0x7c: {  	v62 =	vld [tilespmem:s23+$0x400]  }
0x7d: {  	v6 =	vadd.f32 v7, v6;
	v7 =	vmul.f32 v60, v10  }
0x7e: {  	v63 =	vld [tilespmem:s23+$0x480]  }
0x7f: {  	v6 =	vadd.f32 v7, v6;
	v7 =	vmul.f32 v61, v11;
	_ =	sdelay $0x1  }
0x80: {  	v6 =	vadd.f32 v7, v6;
	v7 =	vmul.f32 v62, v12;
	_ =	sdelay $0x1  }
0x81: {  	v6 =	vadd.f32 v7, v6;
	v7 =	vmul.f32 v63, v13;
	_ =	sdelay $0x1  }
0x82: {  	s21 =	sadd.s32 $0x1, s21;
	v6 =	vadd.f32 v7, v6  }
0x83: {  	s31 =	sadd.s32 $0x10, s22;
	p0 =	sne.s32 s21, s10  }
.Ltmp1:
0x84: {  	[tilespmem:s31+$0x0] =	vst v6;
	(pc) =	sbr.rel @p0 .LBB2_1-.Ltmp1, $4  }
0x85: {  	[hbm4b:s9+s12] =	stream.strided.scatter [tilespmem:s20], [sflag:$0x2], $0x400, s19, s12, $0x38;
	[tilespmem:$0x2580] =	vst v63  }
0x86: {  	_ =	swait.ge [sflag:s11], $0x400  }
0x87: {  	[sflag:s11] =	ssyncset.done $0x0  }
0x88: {  	[sflag:s11] =	ssyncadd.s32 $0xFFFFFC00  }
0x89: {  	_ =	sfence.sel $0x180000  }
0x8a: {  	[bflag:$0x0] =	sbarrier.arrive $0xFFFF  }
0x8b: {  	p0 =	sne.s32 s0, $0x0;
	_ =	strace $0x90000047  }
0x8c: {  	s0 =	sadd.s32 @!p0 $0x100000, s1;
	[bflag:$0x2] =	sbarrier.arrive $0xFFFF  }
0x8d: {  	[sflag:s0] =	ssyncadd.tile.s32 @!p0 $0x1;
	_ =	shalt  }
.Lfunc_end2:
_tile_overlayer_lowered:
.L_overlay_start_2:
0x8e: {  	(tag) =	ssettag $0x2  }
0x8f: {  	s0 =	rddreg [dreg:$0x0];
	s2 =	stileid.u32  }
0x90: {  	s1 =	rddreg [dreg:$0x1];
	p0 =	sne.s32 s2, $0x0  }
0x91: {  	s3 =	rddreg [dreg:$0x2];
	[bflag:$0x3] =	sbarrier.arrive $0xFFFF;
	s2 =	simm.s32 @!p0 $0x1C02  }
0x92: {  	[timem:s3], [sflag:s2] =	dma.local @!p0 [hbm:s0], s1  }
0x93: {  	s0 =	simm.s32 @!p0 $0x2  }
0x94: {  	_ =	swait.ge @!p0 [sflag:s0], s1  }
0x95: {  	s1 =	ssub.s32 @!p0 $0x0, s1;
	[sflag:s0] =	ssyncset.done @!p0 $0x0  }
0x96: {  	[sflag:s0] =	ssyncadd.s32 @!p0 s1  }
0x97: {  	[bflag:$0x3] =	sbarrier.arrive $0xFFFF  }
0x98: {  	_ =	shalt  }

</sc_bundles>
